<compile_context>
chip_gen: v7x
topology: tpu7x:2x2x1
jax: 0.10.2.dev20260603
libtpu: 0.0.44.dev20260713+nightly
codegen_flags: <defaults>
</compile_context>

<pallas_src>
import functools

import jax
import jax.numpy as jnp
from jax import lax
from jax.experimental import pallas as pl
from jax.experimental.pallas import tpu as pltpu
from jax.experimental.pallas import tpu_sc as plsc

N = 10000
E = 320000
D = 128

NC = 2
NS = 16
NW = NC * NS

CHUNK = 128
NCHUNK = 80
HALF = NCHUNK // 2
EPW = NCHUNK * CHUNK
REAL_EPW = E // NW
PAD_W = EPW - REAL_EPW
NBUF = 2

N_ACC = 10240
STRIPE = N_ACC // NS


def _sc_aggregate(x, src, dst):
    mesh = plsc.VectorSubcoreMesh(
        core_axis_name="c", subcore_axis_name="s", num_cores=NC, num_subcores=NS
    )

    @functools.partial(
        pl.kernel,
        out_type=jax.ShapeDtypeStruct((NC, N_ACC, D), jnp.float32),
        mesh=mesh,
        scratch_types=[
            pltpu.VMEM((HALF, CHUNK), jnp.int32),
            pltpu.VMEM((HALF, CHUNK), jnp.int32),
            pltpu.VMEM((NBUF, CHUNK, D), jnp.float32),
            pltpu.VMEM_SHARED((N_ACC, D), jnp.float32),
            pltpu.SemaphoreType.DMA,
            pltpu.SemaphoreType.DMA,
            pltpu.SemaphoreType.DMA,
            pltpu.SemaphoreType.DMA,
            pltpu.SemaphoreType.DMA,
        ],
    )
    def k(x_hbm, src_hbm, dst_hbm, out_hbm, src_v, dst_v, bufs, acc,
          isem, gsem0, gsem1, ssem0, ssem1):
        cid = lax.axis_index("c")
        sid = lax.axis_index("s")
        wid = cid * NS + sid
        gsems = (gsem0, gsem1)

        rbase = wid * NCHUNK
        idx_cp0 = pltpu.async_copy(src_hbm.at[pl.ds(rbase, HALF)], src_v, isem)
        idx_cp1 = pltpu.async_copy(dst_hbm.at[pl.ds(rbase, HALF)], dst_v, isem)

        zero = jnp.zeros((16,), jnp.float32)

        @pl.loop(0, CHUNK * 8)
        def _(i):
            bufs[0, i // 8, pl.ds((i % 8) * 16, 16)] = zero

        for r in range(STRIPE // CHUNK):
            pltpu.sync_copy(
                bufs.at[0], acc.at[pl.ds(sid * STRIPE + r * CHUNK, CHUNK)]
            )
        idx_cp0.wait()
        idx_cp1.wait()
        plsc.subcore_barrier()

        for h in range(2):
            if h == 1:
                pltpu.sync_copy(src_hbm.at[pl.ds(rbase + HALF, HALF)], src_v)
                pltpu.sync_copy(dst_hbm.at[pl.ds(rbase + HALF, HALF)], dst_v)

            for b in range(NBUF):
                pltpu.async_copy(x_hbm.at[src_v.at[b]], bufs.at[b], gsems[b])

            @pl.loop(0, HALF, step=NBUF)
            def _(c):
                for b in range(NBUF):
                    pltpu.make_async_copy(
                        x_hbm.at[pl.ds(0, CHUNK)], bufs.at[b], gsems[b]
                    ).wait()
                    pltpu.sync_copy(
                        bufs.at[b], acc.at[dst_v.at[c + b]], add=True
                    )
                    nxt = c + b + NBUF

                    @pl.when(nxt < HALF)
                    def _():
                        pltpu.async_copy(
                            x_hbm.at[src_v.at[nxt]], bufs.at[b], gsems[b]
                        )

        plsc.subcore_barrier()
        pltpu.sync_copy(
            acc.at[pl.ds(sid * STRIPE, STRIPE)],
            out_hbm.at[cid, pl.ds(sid * STRIPE, STRIPE)],
        )

    return k(x, src, dst)


ROWS = 2000


def _mlp_body(x_ref, p_ref, w1_ref, b1_ref, w2_ref, b2_ref, eps_ref, o_ref):
    h = (1.0 + eps_ref[0, 0]) * x_ref[...] + p_ref[0] + p_ref[1]
    h = jnp.dot(h, w1_ref[...], preferred_element_type=jnp.float32) + b1_ref[...]
    h = jnp.maximum(h, 0.0)
    o_ref[...] = jnp.dot(h, w2_ref[...], preferred_element_type=jnp.float32) + b2_ref[...]


def _mlp(x, partial, W1, b1, W2, b2, eps):
    grid = (N // ROWS,)
    return pl.pallas_call(
        _mlp_body,
        grid=grid,
        in_specs=[
            pl.BlockSpec((ROWS, D), lambda i: (i, 0)),
            pl.BlockSpec((NC, ROWS, D), lambda i: (0, i, 0)),
            pl.BlockSpec((D, D), lambda i: (0, 0)),
            pl.BlockSpec((1, D), lambda i: (0, 0)),
            pl.BlockSpec((D, D), lambda i: (0, 0)),
            pl.BlockSpec((1, D), lambda i: (0, 0)),
            pl.BlockSpec(memory_space=pltpu.SMEM),
        ],
        out_specs=pl.BlockSpec((ROWS, D), lambda i: (i, 0)),
        out_shape=jax.ShapeDtypeStruct((N, D), jnp.float32),
    )(x, partial, W1, b1.reshape(1, D), W2, b2.reshape(1, D), eps.reshape(1, 1))


def kernel(x, edge_index, degrees, W1, b1, W2, b2, eps):
    pad_src = jnp.broadcast_to(jnp.arange(PAD_W, dtype=jnp.int32), (NW, PAD_W))
    pad_dst = jnp.broadcast_to(
        N + jnp.arange(PAD_W, dtype=jnp.int32), (NW, PAD_W)
    )
    src = jnp.concatenate(
        [edge_index[0].reshape(NW, REAL_EPW), pad_src], axis=1
    ).reshape(NW * NCHUNK, CHUNK)
    dst = jnp.concatenate(
        [edge_index[1].reshape(NW, REAL_EPW), pad_dst], axis=1
    ).reshape(NW * NCHUNK, CHUNK)
    partial = _sc_aggregate(x, src, dst)
    return _mlp(x, partial, W1, b1, W2, b2, eps)

# --- scband reference (transcript-rebuilt; emitter-appended) ---
"""Pipeline reference for scband-mpnn-sparse-5566277616082 (READ-ONLY COPY).

The authoritative reference and input builder live on the scoring server;
editing this copy changes nothing except your own understanding.
"""

import jax, jax.numpy as jnp
import numpy as np

N = 10000
E = 320000
D_IN = 128
D_H = 128
D_UP = 128


def setup_inputs(seed: int = 0) -> dict:
    key = jax.random.key(seed)
    k1, k2, k3, k4, k5 = jax.random.split(key, 5)
    x = jax.random.normal(k1, (N, D_IN), dtype=jnp.float32)
    edge_index = jax.random.randint(k2, (2, E), 0, N, dtype=jnp.int32)
    degrees = jax.random.uniform(k3, (N,), dtype=jnp.float32)
    # update_fn MLP params: Linear(D_IN -> D_H) -> ReLU -> Linear(D_H -> D_UP)
    W1 = jax.random.normal(k4, (D_IN, D_H), dtype=jnp.float32) * (1.0 / np.sqrt(D_IN))
    b1 = jnp.zeros((D_H,), dtype=jnp.float32)
    W2 = jax.random.normal(k5, (D_H, D_UP), dtype=jnp.float32) * (1.0 / np.sqrt(D_H))
    b2 = jnp.zeros((D_UP,), dtype=jnp.float32)
    eps = jnp.array(0.0, dtype=jnp.float32)
    return {"x": x, "edge_index": edge_index, "degrees": degrees,
            "W1": W1, "b1": b1, "W2": W2, "b2": b2, "eps": eps}


def reference(x, edge_index, degrees, W1, b1, W2, b2, eps):
    # degree_as_tag=False, retain_features=True -> x unchanged (degrees unused)
    # aggr_fn='gin', aggr='add', flow='source_to_target':
    #   select=1 -> edge_index_i = edge_index[1] (dst), x_j = x[edge_index[0]] (src)
    #   sparse sum over dim 0 aggregates messages onto dst nodes
    src = edge_index[0]
    dst = edge_index[1]
    msgs = jnp.take(x, src, axis=0)  # gather source node features per edge
    agg = jax.ops.segment_sum(msgs, dst, num_segments=N)  # scatter-add to dst
    h = (1.0 + eps) * x + agg
    h = jnp.maximum(jnp.dot(h, W1) + b1, 0.0)
    out = jnp.dot(h, W2) + b2
    return out

if __name__ == "__main__":
    import jax
    _d = setup_inputs()
    print(jax.jit(kernel)(*tuple(_d.values())))

</pallas_src>

<mosaic_0001>
#map = affine_map<(d0, d1) -> (0, 0)>
#map1 = affine_map<(d0, d1) -> (0, 0, 0)>
module attributes {stable_mosaic.version = 14 : i64} {
  func.func @k(%arg0: i32, %arg1: i32, %arg2: memref<10000x128xf32, #tpu.memory_space<hbm>>, %arg3: memref<2560x128xi32, #tpu.memory_space<hbm>>, %arg4: memref<2560x128xi32, #tpu.memory_space<hbm>>, %arg5: memref<2x10240x128xf32, #tpu.memory_space<hbm>>, %arg6: memref<40x128xi32, #tpu.memory_space<vmem>>, %arg7: memref<40x128xi32, #tpu.memory_space<vmem>>, %arg8: memref<2x128x128xf32, #tpu.memory_space<vmem>>, %arg9: memref<10240x128xf32, #tpu.memory_space<vmem_shared>>, %arg10: memref<!tpu.dma_semaphore, #tpu.memory_space<semaphore_mem>>, %arg11: memref<!tpu.dma_semaphore, #tpu.memory_space<semaphore_mem>>, %arg12: memref<!tpu.dma_semaphore, #tpu.memory_space<semaphore_mem>>, %arg13: memref<!tpu.dma_semaphore, #tpu.memory_space<semaphore_mem>>, %arg14: memref<!tpu.dma_semaphore, #tpu.memory_space<semaphore_mem>>) attributes {dimension_semantics = [#tpu.dimension_semantics<core_parallel>, #tpu.dimension_semantics<subcore_parallel>], iteration_bounds = array<i64: 2, 16>, scalar_prefetch = 0 : i64, scratch_operands = 9 : i64, tpu.core_type = #tpu.core_type<sc_vector_subcore>, window_params = [{transform_indices = #map}, {transform_indices = #map}, {transform_indices = #map}, {transform_indices = #map1}]} {
    %mul3A = arith.constant 16 : i32
    %mul3A_0 = arith.muli %arg0, %mul3A : i32
    %add3A = arith.addi %mul3A_0, %arg1 : i32
    %mul3A_1 = arith.constant 80 : i32
    %mul3A_2 = arith.muli %add3A, %mul3A_1 : i32
    %dma_start3A = arith.constant 0 : i32
    %dma_start3A_3 = tpu.memref_slice %arg3[%mul3A_2, %dma_start3A] : memref<2560x128xi32, #tpu.memory_space<hbm>> -> memref<40x128xi32, #tpu.memory_space<hbm>>
    %dma_start3A_4 = arith.constant 0 : i32
    %dma_start3A_5 = tpu.memref_slice %arg3[%mul3A_2, %dma_start3A_4] : memref<2560x128xi32, #tpu.memory_space<hbm>> -> memref<40x128xi32, #tpu.memory_space<hbm>>
    tpu.enqueue_dma source(%dma_start3A_5 : memref<40x128xi32, #tpu.memory_space<hbm>>) target(%arg6 : memref<40x128xi32, #tpu.memory_space<vmem>>) target_semaphore(%arg10 : memref<!tpu.dma_semaphore, #tpu.memory_space<semaphore_mem>>)
    %dma_start3A_6 = arith.constant 0 : i32
    %dma_start3A_7 = tpu.memref_slice %arg4[%mul3A_2, %dma_start3A_6] : memref<2560x128xi32, #tpu.memory_space<hbm>> -> memref<40x128xi32, #tpu.memory_space<hbm>>
    %dma_start3A_8 = arith.constant 0 : i32
    %dma_start3A_9 = tpu.memref_slice %arg4[%mul3A_2, %dma_start3A_8] : memref<2560x128xi32, #tpu.memory_space<hbm>> -> memref<40x128xi32, #tpu.memory_space<hbm>>
    tpu.enqueue_dma source(%dma_start3A_9 : memref<40x128xi32, #tpu.memory_space<hbm>>) target(%arg7 : memref<40x128xi32, #tpu.memory_space<vmem>>) target_semaphore(%arg10 : memref<!tpu.dma_semaphore, #tpu.memory_space<semaphore_mem>>)
    %broadcast_in_dim3A = arith.constant 0.000000e+00 : f32
    %broadcast_in_dim3A_10 = vector.broadcast %broadcast_in_dim3A : f32 to vector<16xf32>
    %scan3A = arith.constant 0 : i32
    %scan3A_11 = arith.constant 1024 : i32
    %scan3A_12 = arith.addi %scan3A, %scan3A_11 : i32
    %scan3A_13 = arith.constant 1 : i32
    scf.for %scan3A_113 = %scan3A to %scan3A_12 step %scan3A_13  : i32 {
      %mul3A_114 = arith.constant 1 : i32
      %mul3A_115 = arith.muli %scan3A_113, %mul3A_114 : i32
      %add3A_116 = arith.constant 0 : i32
      %add3A_117 = arith.addi %add3A_116, %mul3A_115 : i32
      %jit3A = arith.constant 8 : i32
      %div3A = arith.divsi %add3A_117, %jit3A : i32
      %sign3A = arith.constant 0 : i32
      %sign3A_118 = arith.cmpi sgt, %add3A_117, %sign3A : i32
      %sign3A_119 = arith.extui %sign3A_118 : i1 to i32
      %sign3A_120 = arith.constant 0 : i32
      %sign3A_121 = arith.cmpi slt, %add3A_117, %sign3A_120 : i32
      %sign3A_122 = arith.extui %sign3A_121 : i1 to i32
      %sign3A_123 = arith.subi %sign3A_119, %sign3A_122 : i32
      %sign3A_124 = arith.constant 0 : i32
      %sign3A_125 = arith.cmpi sgt, %jit3A, %sign3A_124 : i32
      %sign3A_126 = arith.extui %sign3A_125 : i1 to i32
      %sign3A_127 = arith.constant 0 : i32
      %sign3A_128 = arith.cmpi slt, %jit3A, %sign3A_127 : i32
      %sign3A_129 = arith.extui %sign3A_128 : i1 to i32
      %sign3A_130 = arith.subi %sign3A_126, %sign3A_129 : i32
      %ne3A = arith.cmpi ne, %sign3A_123, %sign3A_130 : i32
      %rem3A = arith.remsi %add3A_117, %jit3A : i32
      %ne3A_131 = arith.constant 0 : i32
      %ne3A_132 = arith.cmpi ne, %rem3A, %ne3A_131 : i32
      %and3A = arith.andi %ne3A, %ne3A_132 : i1
      %sub3A = arith.constant 1 : i32
      %sub3A_133 = arith.subi %div3A, %sub3A : i32
      %select_n3A = arith.select %and3A, %sub3A_133, %div3A : i32
      %jit3A_134 = arith.constant 8 : i32
      %eq3A = arith.constant 0 : i32
      %eq3A_135 = arith.cmpi eq, %jit3A_134, %eq3A : i32
      %jit3A_136 = arith.constant 1 : i32
      %select_n3A_137 = arith.select %eq3A_135, %jit3A_136, %jit3A_134 : i32
      %rem3A_138 = arith.remsi %add3A_117, %select_n3A_137 : i32
      %ne3A_139 = arith.constant 0 : i32
      %ne3A_140 = arith.cmpi ne, %rem3A_138, %ne3A_139 : i32
      %lt3A = arith.constant 0 : i32
      %lt3A_141 = arith.cmpi slt, %rem3A_138, %lt3A : i32
      %lt3A_142 = arith.constant 0 : i32
      %lt3A_143 = arith.cmpi slt, %select_n3A_137, %lt3A_142 : i32
      %ne3A_144 = arith.xori %lt3A_141, %lt3A_143 : i1
      %and3A_145 = arith.andi %ne3A_144, %ne3A_140 : i1
      %add3A_146 = arith.addi %rem3A_138, %select_n3A_137 : i32
      %select_n3A_147 = arith.select %and3A_145, %add3A_146, %rem3A_138 : i32
      %mul3A_148 = arith.constant 16 : i32
      %mul3A_149 = arith.muli %select_n3A_147, %mul3A_148 : i32
      %swap3A = arith.constant 0 : i32
      %swap3A_150 = arith.index_cast %swap3A : i32 to index
      %swap3A_151 = arith.index_cast %select_n3A : i32 to index
      %swap3A_152 = arith.index_cast %mul3A_149 : i32 to index
      %swap3A_153 = tpu.vector_load %arg8[%swap3A_150, %swap3A_151, %swap3A_152] {strides = array<i32>} : memref<2x128x128xf32, #tpu.memory_space<vmem>>, vector<1x1x16xf32>,
      %swap3A_154 = vector.shape_cast %swap3A_153 : vector<1x1x16xf32> to vector<16xf32>
      %swap3A_155 = vector.shape_cast %broadcast_in_dim3A_10 : vector<16xf32> to vector<1x1x16xf32>
      tpu.vector_store %arg8[%swap3A_150, %swap3A_151, %swap3A_152], %swap3A_155 {strides = array<i32>} : memref<2x128x128xf32, #tpu.memory_space<vmem>>, vector<1x1x16xf32>,
    }
    %scan3A_14 = arith.constant 1024 : i32
    %mul3A_15 = arith.constant 640 : i32
    %mul3A_16 = arith.muli %arg1, %mul3A_15 : i32
    %add3A_17 = arith.constant 0 : i32
    %add3A_18 = arith.addi %mul3A_16, %add3A_17 : i32
    %run_scoped3A = arith.constant 0 : i32
    "tpu.region"() ({
      %run_scoped3A_113 = tpu.sem_alloc : memref<!tpu.dma_semaphore, #tpu.memory_space<semaphore_mem>>
      %dma_start3A_114 = arith.constant 0 : i32
      %dma_start3A_115 = arith.constant 0 : i32
      %dma_start3A_116 = tpu.memref_slice %arg8[%run_scoped3A, %dma_start3A_114, %dma_start3A_115] : memref<2x128x128xf32, #tpu.memory_space<vmem>> -> memref<1x128x128xf32, #tpu.memory_space<vmem>>
      %dma_start3A_117 = tpu.memref_squeeze %dma_start3A_116 : memref<1x128x128xf32, #tpu.memory_space<vmem>> -> memref<128x128xf32, #tpu.memory_space<vmem>>
      %dma_start3A_118 = arith.constant 0 : i32
      %dma_start3A_119 = tpu.memref_slice %arg9[%add3A_18, %dma_start3A_118] : memref<10240x128xf32, #tpu.memory_space<vmem_shared>> -> memref<128x128xf32, #tpu.memory_space<vmem_shared>>
      %dma_start3A_120 = arith.constant 0 : i32
      %dma_start3A_121 = tpu.memref_slice %arg9[%add3A_18, %dma_start3A_120] : memref<10240x128xf32, #tpu.memory_space<vmem_shared>> -> memref<128x128xf32, #tpu.memory_space<vmem_shared>>
      %dma_start3A_122 = arith.constant 0 : i32
      %dma_start3A_123 = arith.constant 0 : i32
      %dma_start3A_124 = tpu.memref_slice %arg8[%run_scoped3A, %dma_start3A_122, %dma_start3A_123] : memref<2x128x128xf32, #tpu.memory_space<vmem>> -> memref<1x128x128xf32, #tpu.memory_space<vmem>>
      %dma_start3A_125 = tpu.memref_squeeze %dma_start3A_124 : memref<1x128x128xf32, #tpu.memory_space<vmem>> -> memref<128x128xf32, #tpu.memory_space<vmem>>
      tpu.enqueue_dma source(%dma_start3A_125 : memref<128x128xf32, #tpu.memory_space<vmem>>) target(%dma_start3A_121 : memref<128x128xf32, #tpu.memory_space<vmem_shared>>) target_semaphore(%run_scoped3A_113 : memref<!tpu.dma_semaphore, #tpu.memory_space<semaphore_mem>>)
      %dma_wait3A_126 = arith.constant 0 : i32
      %dma_wait3A_127 = arith.constant 0 : i32
      %dma_wait3A_128 = tpu.memref_slice %arg8[%run_scoped3A, %dma_wait3A_126, %dma_wait3A_127] : memref<2x128x128xf32, #tpu.memory_space<vmem>> -> memref<1x128x128xf32, #tpu.memory_space<vmem>>
      %dma_wait3A_129 = tpu.memref_squeeze %dma_wait3A_128 : memref<1x128x128xf32, #tpu.memory_space<vmem>> -> memref<128x128xf32, #tpu.memory_space<vmem>>
      %dma_wait3A_130 = arith.constant 0 : i32
      %dma_wait3A_131 = tpu.memref_slice %arg9[%add3A_18, %dma_wait3A_130] : memref<10240x128xf32, #tpu.memory_space<vmem_shared>> -> memref<128x128xf32, #tpu.memory_space<vmem_shared>>
      %dma_wait3A_132 = arith.constant 0 : i32
      %dma_wait3A_133 = tpu.memref_slice %arg9[%add3A_18, %dma_wait3A_132] : memref<10240x128xf32, #tpu.memory_space<vmem_shared>> -> memref<128x128xf32, #tpu.memory_space<vmem_shared>>
      %dma_wait3A_134 = arith.constant 0 : i32
      %dma_wait3A_135 = arith.constant 0 : i32
      %dma_wait3A_136 = tpu.memref_slice %arg8[%run_scoped3A, %dma_wait3A_134, %dma_wait3A_135] : memref<2x128x128xf32, #tpu.memory_space<vmem>> -> memref<1x128x128xf32, #tpu.memory_space<vmem>>
      %dma_wait3A_137 = tpu.memref_squeeze %dma_wait3A_136 : memref<1x128x128xf32, #tpu.memory_space<vmem>> -> memref<128x128xf32, #tpu.memory_space<vmem>>
      tpu.wait_dma2 semaphore(%run_scoped3A_113 : memref<!tpu.dma_semaphore, #tpu.memory_space<semaphore_mem>>) src(%dma_wait3A_137 : memref<128x128xf32, #tpu.memory_space<vmem>>) dst(%dma_wait3A_133 : memref<128x128xf32, #tpu.memory_space<vmem_shared>>)
      tpu.yield
    }) : () -> ()
    %mul3A_19 = arith.constant 640 : i32
    %mul3A_20 = arith.muli %arg1, %mul3A_19 : i32
    %add3A_21 = arith.constant 128 : i32
    %add3A_22 = arith.addi %mul3A_20, %add3A_21 : i32
    %run_scoped3A_23 = arith.constant 0 : i32
    "tpu.region"() ({
      %run_scoped3A_113 = tpu.sem_alloc : memref<!tpu.dma_semaphore, #tpu.memory_space<semaphore_mem>>
      %dma_start3A_114 = arith.constant 0 : i32
      %dma_start3A_115 = arith.constant 0 : i32
      %dma_start3A_116 = tpu.memref_slice %arg8[%run_scoped3A_23, %dma_start3A_114, %dma_start3A_115] : memref<2x128x128xf32, #tpu.memory_space<vmem>> -> memref<1x128x128xf32, #tpu.memory_space<vmem>>
      %dma_start3A_117 = tpu.memref_squeeze %dma_start3A_116 : memref<1x128x128xf32, #tpu.memory_space<vmem>> -> memref<128x128xf32, #tpu.memory_space<vmem>>
      %dma_start3A_118 = arith.constant 0 : i32
      %dma_start3A_119 = tpu.memref_slice %arg9[%add3A_22, %dma_start3A_118] : memref<10240x128xf32, #tpu.memory_space<vmem_shared>> -> memref<128x128xf32, #tpu.memory_space<vmem_shared>>
      %dma_start3A_120 = arith.constant 0 : i32
      %dma_start3A_121 = tpu.memref_slice %arg9[%add3A_22, %dma_start3A_120] : memref<10240x128xf32, #tpu.memory_space<vmem_shared>> -> memref<128x128xf32, #tpu.memory_space<vmem_shared>>
      %dma_start3A_122 = arith.constant 0 : i32
      %dma_start3A_123 = arith.constant 0 : i32
      %dma_start3A_124 = tpu.memref_slice %arg8[%run_scoped3A_23, %dma_start3A_122, %dma_start3A_123] : memref<2x128x128xf32, #tpu.memory_space<vmem>> -> memref<1x128x128xf32, #tpu.memory_space<vmem>>
      %dma_start3A_125 = tpu.memref_squeeze %dma_start3A_124 : memref<1x128x128xf32, #tpu.memory_space<vmem>> -> memref<128x128xf32, #tpu.memory_space<vmem>>
      tpu.enqueue_dma source(%dma_start3A_125 : memref<128x128xf32, #tpu.memory_space<vmem>>) target(%dma_start3A_121 : memref<128x128xf32, #tpu.memory_space<vmem_shared>>) target_semaphore(%run_scoped3A_113 : memref<!tpu.dma_semaphore, #tpu.memory_space<semaphore_mem>>)
      %dma_wait3A_126 = arith.constant 0 : i32
      %dma_wait3A_127 = arith.constant 0 : i32
      %dma_wait3A_128 = tpu.memref_slice %arg8[%run_scoped3A_23, %dma_wait3A_126, %dma_wait3A_127] : memref<2x128x128xf32, #tpu.memory_space<vmem>> -> memref<1x128x128xf32, #tpu.memory_space<vmem>>
      %dma_wait3A_129 = tpu.memref_squeeze %dma_wait3A_128 : memref<1x128x128xf32, #tpu.memory_space<vmem>> -> memref<128x128xf32, #tpu.memory_space<vmem>>
      %dma_wait3A_130 = arith.constant 0 : i32
      %dma_wait3A_131 = tpu.memref_slice %arg9[%add3A_22, %dma_wait3A_130] : memref<10240x128xf32, #tpu.memory_space<vmem_shared>> -> memref<128x128xf32, #tpu.memory_space<vmem_shared>>
      %dma_wait3A_132 = arith.constant 0 : i32
      %dma_wait3A_133 = tpu.memref_slice %arg9[%add3A_22, %dma_wait3A_132] : memref<10240x128xf32, #tpu.memory_space<vmem_shared>> -> memref<128x128xf32, #tpu.memory_space<vmem_shared>>
      %dma_wait3A_134 = arith.constant 0 : i32
      %dma_wait3A_135 = arith.constant 0 : i32
      %dma_wait3A_136 = tpu.memref_slice %arg8[%run_scoped3A_23, %dma_wait3A_134, %dma_wait3A_135] : memref<2x128x128xf32, #tpu.memory_space<vmem>> -> memref<1x128x128xf32, #tpu.memory_space<vmem>>
      %dma_wait3A_137 = tpu.memref_squeeze %dma_wait3A_136 : memref<1x128x128xf32, #tpu.memory_space<vmem>> -> memref<128x128xf32, #tpu.memory_space<vmem>>
      tpu.wait_dma2 semaphore(%run_scoped3A_113 : memref<!tpu.dma_semaphore, #tpu.memory_space<semaphore_mem>>) src(%dma_wait3A_137 : memref<128x128xf32, #tpu.memory_space<vmem>>) dst(%dma_wait3A_133 : memref<128x128xf32, #tpu.memory_space<vmem_shared>>)
      tpu.yield
    }) : () -> ()
    %mul3A_24 = arith.constant 640 : i32
    %mul3A_25 = arith.muli %arg1, %mul3A_24 : i32
    %add3A_26 = arith.constant 256 : i32
    %add3A_27 = arith.addi %mul3A_25, %add3A_26 : i32
    %run_scoped3A_28 = arith.constant 0 : i32
    "tpu.region"() ({
      %run_scoped3A_113 = tpu.sem_alloc : memref<!tpu.dma_semaphore, #tpu.memory_space<semaphore_mem>>
      %dma_start3A_114 = arith.constant 0 : i32
      %dma_start3A_115 = arith.constant 0 : i32
      %dma_start3A_116 = tpu.memref_slice %arg8[%run_scoped3A_28, %dma_start3A_114, %dma_start3A_115] : memref<2x128x128xf32, #tpu.memory_space<vmem>> -> memref<1x128x128xf32, #tpu.memory_space<vmem>>
      %dma_start3A_117 = tpu.memref_squeeze %dma_start3A_116 : memref<1x128x128xf32, #tpu.memory_space<vmem>> -> memref<128x128xf32, #tpu.memory_space<vmem>>
      %dma_start3A_118 = arith.constant 0 : i32
      %dma_start3A_119 = tpu.memref_slice %arg9[%add3A_27, %dma_start3A_118] : memref<10240x128xf32, #tpu.memory_space<vmem_shared>> -> memref<128x128xf32, #tpu.memory_space<vmem_shared>>
      %dma_start3A_120 = arith.constant 0 : i32
      %dma_start3A_121 = tpu.memref_slice %arg9[%add3A_27, %dma_start3A_120] : memref<10240x128xf32, #tpu.memory_space<vmem_shared>> -> memref<128x128xf32, #tpu.memory_space<vmem_shared>>
      %dma_start3A_122 = arith.constant 0 : i32
      %dma_start3A_123 = arith.constant 0 : i32
      %dma_start3A_124 = tpu.memref_slice %arg8[%run_scoped3A_28, %dma_start3A_122, %dma_start3A_123] : memref<2x128x128xf32, #tpu.memory_space<vmem>> -> memref<1x128x128xf32, #tpu.memory_space<vmem>>
      %dma_start3A_125 = tpu.memref_squeeze %dma_start3A_124 : memref<1x128x128xf32, #tpu.memory_space<vmem>> -> memref<128x128xf32, #tpu.memory_space<vmem>>
      tpu.enqueue_dma source(%dma_start3A_125 : memref<128x128xf32, #tpu.memory_space<vmem>>) target(%dma_start3A_121 : memref<128x128xf32, #tpu.memory_space<vmem_shared>>) target_semaphore(%run_scoped3A_113 : memref<!tpu.dma_semaphore, #tpu.memory_space<semaphore_mem>>)
      %dma_wait3A_126 = arith.constant 0 : i32
      %dma_wait3A_127 = arith.constant 0 : i32
      %dma_wait3A_128 = tpu.memref_slice %arg8[%run_scoped3A_28, %dma_wait3A_126, %dma_wait3A_127] : memref<2x128x128xf32, #tpu.memory_space<vmem>> -> memref<1x128x128xf32, #tpu.memory_space<vmem>>
      %dma_wait3A_129 = tpu.memref_squeeze %dma_wait3A_128 : memref<1x128x128xf32, #tpu.memory_space<vmem>> -> memref<128x128xf32, #tpu.memory_space<vmem>>
      %dma_wait3A_130 = arith.constant 0 : i32
      %dma_wait3A_131 = tpu.memref_slice %arg9[%add3A_27, %dma_wait3A_130] : memref<10240x128xf32, #tpu.memory_space<vmem_shared>> -> memref<128x128xf32, #tpu.memory_space<vmem_shared>>
      %dma_wait3A_132 = arith.constant 0 : i32
      %dma_wait3A_133 = tpu.memref_slice %arg9[%add3A_27, %dma_wait3A_132] : memref<10240x128xf32, #tpu.memory_space<vmem_shared>> -> memref<128x128xf32, #tpu.memory_space<vmem_shared>>
      %dma_wait3A_134 = arith.constant 0 : i32
      %dma_wait3A_135 = arith.constant 0 : i32
      %dma_wait3A_136 = tpu.memref_slice %arg8[%run_scoped3A_28, %dma_wait3A_134, %dma_wait3A_135] : memref<2x128x128xf32, #tpu.memory_space<vmem>> -> memref<1x128x128xf32, #tpu.memory_space<vmem>>
      %dma_wait3A_137 = tpu.memref_squeeze %dma_wait3A_136 : memref<1x128x128xf32, #tpu.memory_space<vmem>> -> memref<128x128xf32, #tpu.memory_space<vmem>>
      tpu.wait_dma2 semaphore(%run_scoped3A_113 : memref<!tpu.dma_semaphore, #tpu.memory_space<semaphore_mem>>) src(%dma_wait3A_137 : memref<128x128xf32, #tpu.memory_space<vmem>>) dst(%dma_wait3A_133 : memref<128x128xf32, #tpu.memory_space<vmem_shared>>)
      tpu.yield
    }) : () -> ()
    %mul3A_29 = arith.constant 640 : i32
    %mul3A_30 = arith.muli %arg1, %mul3A_29 : i32
    %add3A_31 = arith.constant 384 : i32
    %add3A_32 = arith.addi %mul3A_30, %add3A_31 : i32
    %run_scoped3A_33 = arith.constant 0 : i32
    "tpu.region"() ({
      %run_scoped3A_113 = tpu.sem_alloc : memref<!tpu.dma_semaphore, #tpu.memory_space<semaphore_mem>>
      %dma_start3A_114 = arith.constant 0 : i32
      %dma_start3A_115 = arith.constant 0 : i32
      %dma_start3A_116 = tpu.memref_slice %arg8[%run_scoped3A_33, %dma_start3A_114, %dma_start3A_115] : memref<2x128x128xf32, #tpu.memory_space<vmem>> -> memref<1x128x128xf32, #tpu.memory_space<vmem>>
      %dma_start3A_117 = tpu.memref_squeeze %dma_start3A_116 : memref<1x128x128xf32, #tpu.memory_space<vmem>> -> memref<128x128xf32, #tpu.memory_space<vmem>>
      %dma_start3A_118 = arith.constant 0 : i32
      %dma_start3A_119 = tpu.memref_slice %arg9[%add3A_32, %dma_start3A_118] : memref<10240x128xf32, #tpu.memory_space<vmem_shared>> -> memref<128x128xf32, #tpu.memory_space<vmem_shared>>
      %dma_start3A_120 = arith.constant 0 : i32
      %dma_start3A_121 = tpu.memref_slice %arg9[%add3A_32, %dma_start3A_120] : memref<10240x128xf32, #tpu.memory_space<vmem_shared>> -> memref<128x128xf32, #tpu.memory_space<vmem_shared>>
      %dma_start3A_122 = arith.constant 0 : i32
      %dma_start3A_123 = arith.constant 0 : i32
      %dma_start3A_124 = tpu.memref_slice %arg8[%run_scoped3A_33, %dma_start3A_122, %dma_start3A_123] : memref<2x128x128xf32, #tpu.memory_space<vmem>> -> memref<1x128x128xf32, #tpu.memory_space<vmem>>
      %dma_start3A_125 = tpu.memref_squeeze %dma_start3A_124 : memref<1x128x128xf32, #tpu.memory_space<vmem>> -> memref<128x128xf32, #tpu.memory_space<vmem>>
      tpu.enqueue_dma source(%dma_start3A_125 : memref<128x128xf32, #tpu.memory_space<vmem>>) target(%dma_start3A_121 : memref<128x128xf32, #tpu.memory_space<vmem_shared>>) target_semaphore(%run_scoped3A_113 : memref<!tpu.dma_semaphore, #tpu.memory_space<semaphore_mem>>)
      %dma_wait3A_126 = arith.constant 0 : i32
      %dma_wait3A_127 = arith.constant 0 : i32
      %dma_wait3A_128 = tpu.memref_slice %arg8[%run_scoped3A_33, %dma_wait3A_126, %dma_wait3A_127] : memref<2x128x128xf32, #tpu.memory_space<vmem>> -> memref<1x128x128xf32, #tpu.memory_space<vmem>>
      %dma_wait3A_129 = tpu.memref_squeeze %dma_wait3A_128 : memref<1x128x128xf32, #tpu.memory_space<vmem>> -> memref<128x128xf32, #tpu.memory_space<vmem>>
      %dma_wait3A_130 = arith.constant 0 : i32
      %dma_wait3A_131 = tpu.memref_slice %arg9[%add3A_32, %dma_wait3A_130] : memref<10240x128xf32, #tpu.memory_space<vmem_shared>> -> memref<128x128xf32, #tpu.memory_space<vmem_shared>>
      %dma_wait3A_132 = arith.constant 0 : i32
      %dma_wait3A_133 = tpu.memref_slice %arg9[%add3A_32, %dma_wait3A_132] : memref<10240x128xf32, #tpu.memory_space<vmem_shared>> -> memref<128x128xf32, #tpu.memory_space<vmem_shared>>
      %dma_wait3A_134 = arith.constant 0 : i32
      %dma_wait3A_135 = arith.constant 0 : i32
      %dma_wait3A_136 = tpu.memref_slice %arg8[%run_scoped3A_33, %dma_wait3A_134, %dma_wait3A_135] : memref<2x128x128xf32, #tpu.memory_space<vmem>> -> memref<1x128x128xf32, #tpu.memory_space<vmem>>
      %dma_wait3A_137 = tpu.memref_squeeze %dma_wait3A_136 : memref<1x128x128xf32, #tpu.memory_space<vmem>> -> memref<128x128xf32, #tpu.memory_space<vmem>>
      tpu.wait_dma2 semaphore(%run_scoped3A_113 : memref<!tpu.dma_semaphore, #tpu.memory_space<semaphore_mem>>) src(%dma_wait3A_137 : memref<128x128xf32, #tpu.memory_space<vmem>>) dst(%dma_wait3A_133 : memref<128x128xf32, #tpu.memory_space<vmem_shared>>)
      tpu.yield
    }) : () -> ()
    %mul3A_34 = arith.constant 640 : i32
    %mul3A_35 = arith.muli %arg1, %mul3A_34 : i32
    %add3A_36 = arith.constant 512 : i32
    %add3A_37 = arith.addi %mul3A_35, %add3A_36 : i32
    %run_scoped3A_38 = arith.constant 0 : i32
    "tpu.region"() ({
      %run_scoped3A_113 = tpu.sem_alloc : memref<!tpu.dma_semaphore, #tpu.memory_space<semaphore_mem>>
      %dma_start3A_114 = arith.constant 0 : i32
      %dma_start3A_115 = arith.constant 0 : i32
      %dma_start3A_116 = tpu.memref_slice %arg8[%run_scoped3A_38, %dma_start3A_114, %dma_start3A_115] : memref<2x128x128xf32, #tpu.memory_space<vmem>> -> memref<1x128x128xf32, #tpu.memory_space<vmem>>
      %dma_start3A_117 = tpu.memref_squeeze %dma_start3A_116 : memref<1x128x128xf32, #tpu.memory_space<vmem>> -> memref<128x128xf32, #tpu.memory_space<vmem>>
      %dma_start3A_118 = arith.constant 0 : i32
      %dma_start3A_119 = tpu.memref_slice %arg9[%add3A_37, %dma_start3A_118] : memref<10240x128xf32, #tpu.memory_space<vmem_shared>> -> memref<128x128xf32, #tpu.memory_space<vmem_shared>>
      %dma_start3A_120 = arith.constant 0 : i32
      %dma_start3A_121 = tpu.memref_slice %arg9[%add3A_37, %dma_start3A_120] : memref<10240x128xf32, #tpu.memory_space<vmem_shared>> -> memref<128x128xf32, #tpu.memory_space<vmem_shared>>
      %dma_start3A_122 = arith.constant 0 : i32
      %dma_start3A_123 = arith.constant 0 : i32
      %dma_start3A_124 = tpu.memref_slice %arg8[%run_scoped3A_38, %dma_start3A_122, %dma_start3A_123] : memref<2x128x128xf32, #tpu.memory_space<vmem>> -> memref<1x128x128xf32, #tpu.memory_space<vmem>>
      %dma_start3A_125 = tpu.memref_squeeze %dma_start3A_124 : memref<1x128x128xf32, #tpu.memory_space<vmem>> -> memref<128x128xf32, #tpu.memory_space<vmem>>
      tpu.enqueue_dma source(%dma_start3A_125 : memref<128x128xf32, #tpu.memory_space<vmem>>) target(%dma_start3A_121 : memref<128x128xf32, #tpu.memory_space<vmem_shared>>) target_semaphore(%run_scoped3A_113 : memref<!tpu.dma_semaphore, #tpu.memory_space<semaphore_mem>>)
      %dma_wait3A_126 = arith.constant 0 : i32
      %dma_wait3A_127 = arith.constant 0 : i32
      %dma_wait3A_128 = tpu.memref_slice %arg8[%run_scoped3A_38, %dma_wait3A_126, %dma_wait3A_127] : memref<2x128x128xf32, #tpu.memory_space<vmem>> -> memref<1x128x128xf32, #tpu.memory_space<vmem>>
      %dma_wait3A_129 = tpu.memref_squeeze %dma_wait3A_128 : memref<1x128x128xf32, #tpu.memory_space<vmem>> -> memref<128x128xf32, #tpu.memory_space<vmem>>
      %dma_wait3A_130 = arith.constant 0 : i32
      %dma_wait3A_131 = tpu.memref_slice %arg9[%add3A_37, %dma_wait3A_130] : memref<10240x128xf32, #tpu.memory_space<vmem_shared>> -> memref<128x128xf32, #tpu.memory_space<vmem_shared>>
      %dma_wait3A_132 = arith.constant 0 : i32
      %dma_wait3A_133 = tpu.memref_slice %arg9[%add3A_37, %dma_wait3A_132] : memref<10240x128xf32, #tpu.memory_space<vmem_shared>> -> memref<128x128xf32, #tpu.memory_space<vmem_shared>>
      %dma_wait3A_134 = arith.constant 0 : i32
      %dma_wait3A_135 = arith.constant 0 : i32
      %dma_wait3A_136 = tpu.memref_slice %arg8[%run_scoped3A_38, %dma_wait3A_134, %dma_wait3A_135] : memref<2x128x128xf32, #tpu.memory_space<vmem>> -> memref<1x128x128xf32, #tpu.memory_space<vmem>>
      %dma_wait3A_137 = tpu.memref_squeeze %dma_wait3A_136 : memref<1x128x128xf32, #tpu.memory_space<vmem>> -> memref<128x128xf32, #tpu.memory_space<vmem>>
      tpu.wait_dma2 semaphore(%run_scoped3A_113 : memref<!tpu.dma_semaphore, #tpu.memory_space<semaphore_mem>>) src(%dma_wait3A_137 : memref<128x128xf32, #tpu.memory_space<vmem>>) dst(%dma_wait3A_133 : memref<128x128xf32, #tpu.memory_space<vmem_shared>>)
      tpu.yield
    }) : () -> ()
    %dma_wait3A = arith.constant 0 : i32
    %dma_wait3A_39 = tpu.memref_slice %arg3[%mul3A_2, %dma_wait3A] : memref<2560x128xi32, #tpu.memory_space<hbm>> -> memref<40x128xi32, #tpu.memory_space<hbm>>
    %dma_wait3A_40 = arith.constant 0 : i32
    %dma_wait3A_41 = tpu.memref_slice %arg3[%mul3A_2, %dma_wait3A_40] : memref<2560x128xi32, #tpu.memory_space<hbm>> -> memref<40x128xi32, #tpu.memory_space<hbm>>
    tpu.wait_dma2 semaphore(%arg10 : memref<!tpu.dma_semaphore, #tpu.memory_space<semaphore_mem>>) src(%dma_wait3A_41 : memref<40x128xi32, #tpu.memory_space<hbm>>) dst(%arg6 : memref<40x128xi32, #tpu.memory_space<vmem>>)
    %dma_wait3A_42 = arith.constant 0 : i32
    %dma_wait3A_43 = tpu.memref_slice %arg4[%mul3A_2, %dma_wait3A_42] : memref<2560x128xi32, #tpu.memory_space<hbm>> -> memref<40x128xi32, #tpu.memory_space<hbm>>
    %dma_wait3A_44 = arith.constant 0 : i32
    %dma_wait3A_45 = tpu.memref_slice %arg4[%mul3A_2, %dma_wait3A_44] : memref<2560x128xi32, #tpu.memory_space<hbm>> -> memref<40x128xi32, #tpu.memory_space<hbm>>
    tpu.wait_dma2 semaphore(%arg10 : memref<!tpu.dma_semaphore, #tpu.memory_space<semaphore_mem>>) src(%dma_wait3A_45 : memref<40x128xi32, #tpu.memory_space<hbm>>) dst(%arg7 : memref<40x128xi32, #tpu.memory_space<vmem>>)
    %barrier3A = arith.constant 0 : index
    tpu.barrier barrier_id(%barrier3A)
    %dma_start3A_46 = arith.constant 0 : i32
    %dma_start3A_47 = arith.constant 0 : i32
    %dma_start3A_48 = arith.constant 0 : i32
    %dma_start3A_49 = arith.constant 0 : i32
    %dma_start3A_50 = tpu.memref_slice %arg8[%dma_start3A_47, %dma_start3A_48, %dma_start3A_49] : memref<2x128x128xf32, #tpu.memory_space<vmem>> -> memref<1x128x128xf32, #tpu.memory_space<vmem>>
    %dma_start3A_51 = tpu.memref_squeeze %dma_start3A_50 : memref<1x128x128xf32, #tpu.memory_space<vmem>> -> memref<128x128xf32, #tpu.memory_space<vmem>>
    %dma_start3A_52 = arith.constant 0 : i32
    %dma_start3A_53 = tpu.memref_slice %arg6[%dma_start3A_46, %dma_start3A_52] : memref<40x128xi32, #tpu.memory_space<vmem>> -> memref<1x128xi32, #tpu.memory_space<vmem>>
    %dma_start3A_54 = tpu.memref_squeeze %dma_start3A_53 : memref<1x128xi32, #tpu.memory_space<vmem>> -> memref<128xi32, #tpu.memory_space<vmem>>
    %dma_start3A_55 = arith.constant 0 : i32
    %dma_start3A_56 = arith.constant 0 : i32
    %dma_start3A_57 = tpu.memref_slice %arg2[%dma_start3A_55, %dma_start3A_56] : memref<10000x128xf32, #tpu.memory_space<hbm>> -> memref<10000x128xf32, #tpu.memory_space<hbm>>
    tpu.enqueue_indirect_dma source(%dma_start3A_57 : memref<10000x128xf32, #tpu.memory_space<hbm>>) target(%dma_start3A_51 : memref<128x128xf32, #tpu.memory_space<vmem>>) offsets(%dma_start3A_54 : memref<128xi32, #tpu.memory_space<vmem>>) semaphore(%arg11 : memref<!tpu.dma_semaphore, #tpu.memory_space<semaphore_mem>>)
    %dma_start3A_58 = arith.constant 1 : i32
    %dma_start3A_59 = arith.constant 1 : i32
    %dma_start3A_60 = arith.constant 0 : i32
    %dma_start3A_61 = arith.constant 0 : i32
    %dma_start3A_62 = tpu.memref_slice %arg8[%dma_start3A_59, %dma_start3A_60, %dma_start3A_61] : memref<2x128x128xf32, #tpu.memory_space<vmem>> -> memref<1x128x128xf32, #tpu.memory_space<vmem>>
    %dma_start3A_63 = tpu.memref_squeeze %dma_start3A_62 : memref<1x128x128xf32, #tpu.memory_space<vmem>> -> memref<128x128xf32, #tpu.memory_space<vmem>>
    %dma_start3A_64 = arith.constant 0 : i32
    %dma_start3A_65 = tpu.memref_slice %arg6[%dma_start3A_58, %dma_start3A_64] : memref<40x128xi32, #tpu.memory_space<vmem>> -> memref<1x128xi32, #tpu.memory_space<vmem>>
    %dma_start3A_66 = tpu.memref_squeeze %dma_start3A_65 : memref<1x128xi32, #tpu.memory_space<vmem>> -> memref<128xi32, #tpu.memory_space<vmem>>
    %dma_start3A_67 = arith.constant 0 : i32
    %dma_start3A_68 = arith.constant 0 : i32
    %dma_start3A_69 = tpu.memref_slice %arg2[%dma_start3A_67, %dma_start3A_68] : memref<10000x128xf32, #tpu.memory_space<hbm>> -> memref<10000x128xf32, #tpu.memory_space<hbm>>
    tpu.enqueue_indirect_dma source(%dma_start3A_69 : memref<10000x128xf32, #tpu.memory_space<hbm>>) target(%dma_start3A_63 : memref<128x128xf32, #tpu.memory_space<vmem>>) offsets(%dma_start3A_66 : memref<128xi32, #tpu.memory_space<vmem>>) semaphore(%arg12 : memref<!tpu.dma_semaphore, #tpu.memory_space<semaphore_mem>>)
    %scan3A_70 = arith.constant 0 : i32
    %scan3A_71 = arith.constant 20 : i32
    %scan3A_72 = arith.addi %scan3A_70, %scan3A_71 : i32
    %scan3A_73 = arith.constant 1 : i32
    scf.for %scan3A_113 = %scan3A_70 to %scan3A_72 step %scan3A_73  : i32 {
      %mul3A_114 = arith.constant 2 : i32
      %mul3A_115 = arith.muli %scan3A_113, %mul3A_114 : i32
      %add3A_116 = arith.constant 0 : i32
      %add3A_117 = arith.addi %add3A_116, %mul3A_115 : i32
      %dma_wait3A_118 = arith.constant 0 : i32
      %dma_wait3A_119 = arith.constant 0 : i32
      %dma_wait3A_120 = arith.constant 0 : i32
      %dma_wait3A_121 = tpu.memref_slice %arg8[%dma_wait3A_118, %dma_wait3A_119, %dma_wait3A_120] : memref<2x128x128xf32, #tpu.memory_space<vmem>> -> memref<1x128x128xf32, #tpu.memory_space<vmem>>
      %dma_wait3A_122 = tpu.memref_squeeze %dma_wait3A_121 : memref<1x128x128xf32, #tpu.memory_space<vmem>> -> memref<128x128xf32, #tpu.memory_space<vmem>>
      %dma_wait3A_123 = arith.constant 0 : i32
      %dma_wait3A_124 = arith.constant 0 : i32
      %dma_wait3A_125 = tpu.memref_slice %arg2[%dma_wait3A_123, %dma_wait3A_124] : memref<10000x128xf32, #tpu.memory_space<hbm>> -> memref<128x128xf32, #tpu.memory_space<hbm>>
      %dma_wait3A_126 = arith.constant 0 : i32
      %dma_wait3A_127 = arith.constant 0 : i32
      %dma_wait3A_128 = tpu.memref_slice %arg8[%dma_wait3A_118, %dma_wait3A_126, %dma_wait3A_127] : memref<2x128x128xf32, #tpu.memory_space<vmem>> -> memref<1x128x128xf32, #tpu.memory_space<vmem>>
      %dma_wait3A_129 = tpu.memref_squeeze %dma_wait3A_128 : memref<1x128x128xf32, #tpu.memory_space<vmem>> -> memref<128x128xf32, #tpu.memory_space<vmem>>
      %dma_wait3A_130 = arith.constant 0 : i32
      %dma_wait3A_131 = arith.constant 0 : i32
      %dma_wait3A_132 = tpu.memref_slice %arg2[%dma_wait3A_130, %dma_wait3A_131] : memref<10000x128xf32, #tpu.memory_space<hbm>> -> memref<128x128xf32, #tpu.memory_space<hbm>>
      tpu.wait_dma2 semaphore(%arg11 : memref<!tpu.dma_semaphore, #tpu.memory_space<semaphore_mem>>) src(%dma_wait3A_132 : memref<128x128xf32, #tpu.memory_space<hbm>>) dst(%dma_wait3A_129 : memref<128x128xf32, #tpu.memory_space<vmem>>)
      %add3A_133 = arith.constant 0 : i32
      %add3A_134 = arith.addi %add3A_117, %add3A_133 : i32
      %run_scoped3A_135 = arith.constant 0 : i32
      "tpu.region"() ({
        %run_scoped3A_169 = tpu.sem_alloc : memref<!tpu.dma_semaphore, #tpu.memory_space<semaphore_mem>>
        %dma_start3A_170 = arith.constant 0 : i32
        %dma_start3A_171 = arith.constant 0 : i32
        %dma_start3A_172 = tpu.memref_slice %arg8[%run_scoped3A_135, %dma_start3A_170, %dma_start3A_171] : memref<2x128x128xf32, #tpu.memory_space<vmem>> -> memref<1x128x128xf32, #tpu.memory_space<vmem>>
        %dma_start3A_173 = tpu.memref_squeeze %dma_start3A_172 : memref<1x128x128xf32, #tpu.memory_space<vmem>> -> memref<128x128xf32, #tpu.memory_space<vmem>>
        %dma_start3A_174 = arith.constant 0 : i32
        %dma_start3A_175 = tpu.memref_slice %arg7[%add3A_134, %dma_start3A_174] : memref<40x128xi32, #tpu.memory_space<vmem>> -> memref<1x128xi32, #tpu.memory_space<vmem>>
        %dma_start3A_176 = tpu.memref_squeeze %dma_start3A_175 : memref<1x128xi32, #tpu.memory_space<vmem>> -> memref<128xi32, #tpu.memory_space<vmem>>
        %dma_start3A_177 = arith.constant 0 : i32
        %dma_start3A_178 = arith.constant 0 : i32
        %dma_start3A_179 = tpu.memref_slice %arg9[%dma_start3A_177, %dma_start3A_178] : memref<10240x128xf32, #tpu.memory_space<vmem_shared>> -> memref<10240x128xf32, #tpu.memory_space<vmem_shared>>
        tpu.enqueue_indirect_dma source(%dma_start3A_173 : memref<128x128xf32, #tpu.memory_space<vmem>>) target(%dma_start3A_179 : memref<10240x128xf32, #tpu.memory_space<vmem_shared>>) offsets(%dma_start3A_176 : memref<128xi32, #tpu.memory_space<vmem>>) semaphore(%run_scoped3A_169 : memref<!tpu.dma_semaphore, #tpu.memory_space<semaphore_mem>>) {add = true}
        %dma_wait3A_180 = arith.constant 0 : i32
        %dma_wait3A_181 = arith.constant 0 : i32
        %dma_wait3A_182 = tpu.memref_slice %arg8[%run_scoped3A_135, %dma_wait3A_180, %dma_wait3A_181] : memref<2x128x128xf32, #tpu.memory_space<vmem>> -> memref<1x128x128xf32, #tpu.memory_space<vmem>>
        %dma_wait3A_183 = tpu.memref_squeeze %dma_wait3A_182 : memref<1x128x128xf32, #tpu.memory_space<vmem>> -> memref<128x128xf32, #tpu.memory_space<vmem>>
        %dma_wait3A_184 = arith.constant 0 : i32
        %dma_wait3A_185 = tpu.memref_slice %arg7[%add3A_134, %dma_wait3A_184] : memref<40x128xi32, #tpu.memory_space<vmem>> -> memref<1x128xi32, #tpu.memory_space<vmem>>
        %dma_wait3A_186 = tpu.memref_squeeze %dma_wait3A_185 : memref<1x128xi32, #tpu.memory_space<vmem>> -> memref<128xi32, #tpu.memory_space<vmem>>
        %dma_wait3A_187 = arith.constant 0 : i32
        %dma_wait3A_188 = arith.constant 0 : i32
        %dma_wait3A_189 = tpu.memref_slice %arg9[%dma_wait3A_187, %dma_wait3A_188] : memref<10240x128xf32, #tpu.memory_space<vmem_shared>> -> memref<10240x128xf32, #tpu.memory_space<vmem_shared>>
        tpu.wait_indirect_dma semaphore(%run_scoped3A_169 : memref<!tpu.dma_semaphore, #tpu.memory_space<semaphore_mem>>) src(%dma_wait3A_183 : memref<128x128xf32, #tpu.memory_space<vmem>>) dst(%dma_wait3A_189 : memref<10240x128xf32, #tpu.memory_space<vmem_shared>>)
        tpu.yield
      }) : () -> ()
      %add3A_136 = arith.constant 0 : i32
      %add3A_137 = arith.addi %add3A_117, %add3A_136 : i32
      %add3A_138 = arith.constant 2 : i32
      %add3A_139 = arith.addi %add3A_137, %add3A_138 : i32
      %lt3A = arith.constant 40 : i32
      %lt3A_140 = arith.cmpi slt, %add3A_139, %lt3A : i32
      %convert_element_type3A = arith.extui %lt3A_140 : i1 to i32
      %cond3A = arith.constant 0 : i32
      %cond3A_141 = arith.cmpi ne, %convert_element_type3A, %cond3A : i32
      scf.if %cond3A_141 {
        %dma_start3A_169 = arith.constant 0 : i32
        %dma_start3A_170 = arith.constant 0 : i32
        %dma_start3A_171 = arith.constant 0 : i32
        %dma_start3A_172 = tpu.memref_slice %arg8[%dma_start3A_169, %dma_start3A_170, %dma_start3A_171] : memref<2x128x128xf32, #tpu.memory_space<vmem>> -> memref<1x128x128xf32, #tpu.memory_space<vmem>>
        %dma_start3A_173 = tpu.memref_squeeze %dma_start3A_172 : memref<1x128x128xf32, #tpu.memory_space<vmem>> -> memref<128x128xf32, #tpu.memory_space<vmem>>
        %dma_start3A_174 = arith.constant 0 : i32
        %dma_start3A_175 = tpu.memref_slice %arg6[%add3A_139, %dma_start3A_174] : memref<40x128xi32, #tpu.memory_space<vmem>> -> memref<1x128xi32, #tpu.memory_space<vmem>>
        %dma_start3A_176 = tpu.memref_squeeze %dma_start3A_175 : memref<1x128xi32, #tpu.memory_space<vmem>> -> memref<128xi32, #tpu.memory_space<vmem>>
        %dma_start3A_177 = arith.constant 0 : i32
        %dma_start3A_178 = arith.constant 0 : i32
        %dma_start3A_179 = tpu.memref_slice %arg2[%dma_start3A_177, %dma_start3A_178] : memref<10000x128xf32, #tpu.memory_space<hbm>> -> memref<10000x128xf32, #tpu.memory_space<hbm>>
        tpu.enqueue_indirect_dma source(%dma_start3A_179 : memref<10000x128xf32, #tpu.memory_space<hbm>>) target(%dma_start3A_173 : memref<128x128xf32, #tpu.memory_space<vmem>>) offsets(%dma_start3A_176 : memref<128xi32, #tpu.memory_space<vmem>>) semaphore(%arg11 : memref<!tpu.dma_semaphore, #tpu.memory_space<semaphore_mem>>)
      } else {
      }
      %dma_wait3A_142 = arith.constant 1 : i32
      %dma_wait3A_143 = arith.constant 0 : i32
      %dma_wait3A_144 = arith.constant 0 : i32
      %dma_wait3A_145 = tpu.memref_slice %arg8[%dma_wait3A_142, %dma_wait3A_143, %dma_wait3A_144] : memref<2x128x128xf32, #tpu.memory_space<vmem>> -> memref<1x128x128xf32, #tpu.memory_space<vmem>>
      %dma_wait3A_146 = tpu.memref_squeeze %dma_wait3A_145 : memref<1x128x128xf32, #tpu.memory_space<vmem>> -> memref<128x128xf32, #tpu.memory_space<vmem>>
      %dma_wait3A_147 = arith.constant 0 : i32
      %dma_wait3A_148 = arith.constant 0 : i32
      %dma_wait3A_149 = tpu.memref_slice %arg2[%dma_wait3A_147, %dma_wait3A_148] : memref<10000x128xf32, #tpu.memory_space<hbm>> -> memref<128x128xf32, #tpu.memory_space<hbm>>
      %dma_wait3A_150 = arith.constant 0 : i32
      %dma_wait3A_151 = arith.constant 0 : i32
      %dma_wait3A_152 = tpu.memref_slice %arg8[%dma_wait3A_142, %dma_wait3A_150, %dma_wait3A_151] : memref<2x128x128xf32, #tpu.memory_space<vmem>> -> memref<1x128x128xf32, #tpu.memory_space<vmem>>
      %dma_wait3A_153 = tpu.memref_squeeze %dma_wait3A_152 : memref<1x128x128xf32, #tpu.memory_space<vmem>> -> memref<128x128xf32, #tpu.memory_space<vmem>>
      %dma_wait3A_154 = arith.constant 0 : i32
      %dma_wait3A_155 = arith.constant 0 : i32
      %dma_wait3A_156 = tpu.memref_slice %arg2[%dma_wait3A_154, %dma_wait3A_155] : memref<10000x128xf32, #tpu.memory_space<hbm>> -> memref<128x128xf32, #tpu.memory_space<hbm>>
      tpu.wait_dma2 semaphore(%arg12 : memref<!tpu.dma_semaphore, #tpu.memory_space<semaphore_mem>>) src(%dma_wait3A_156 : memref<128x128xf32, #tpu.memory_space<hbm>>) dst(%dma_wait3A_153 : memref<128x128xf32, #tpu.memory_space<vmem>>)
      %add3A_157 = arith.constant 1 : i32
      %add3A_158 = arith.addi %add3A_117, %add3A_157 : i32
      %run_scoped3A_159 = arith.constant 1 : i32
      "tpu.region"() ({
        %run_scoped3A_169 = tpu.sem_alloc : memref<!tpu.dma_semaphore, #tpu.memory_space<semaphore_mem>>
        %dma_start3A_170 = arith.constant 0 : i32
        %dma_start3A_171 = arith.constant 0 : i32
        %dma_start3A_172 = tpu.memref_slice %arg8[%run_scoped3A_159, %dma_start3A_170, %dma_start3A_171] : memref<2x128x128xf32, #tpu.memory_space<vmem>> -> memref<1x128x128xf32, #tpu.memory_space<vmem>>
        %dma_start3A_173 = tpu.memref_squeeze %dma_start3A_172 : memref<1x128x128xf32, #tpu.memory_space<vmem>> -> memref<128x128xf32, #tpu.memory_space<vmem>>
        %dma_start3A_174 = arith.constant 0 : i32
        %dma_start3A_175 = tpu.memref_slice %arg7[%add3A_158, %dma_start3A_174] : memref<40x128xi32, #tpu.memory_space<vmem>> -> memref<1x128xi32, #tpu.memory_space<vmem>>
        %dma_start3A_176 = tpu.memref_squeeze %dma_start3A_175 : memref<1x128xi32, #tpu.memory_space<vmem>> -> memref<128xi32, #tpu.memory_space<vmem>>
        %dma_start3A_177 = arith.constant 0 : i32
        %dma_start3A_178 = arith.constant 0 : i32
        %dma_start3A_179 = tpu.memref_slice %arg9[%dma_start3A_177, %dma_start3A_178] : memref<10240x128xf32, #tpu.memory_space<vmem_shared>> -> memref<10240x128xf32, #tpu.memory_space<vmem_shared>>
        tpu.enqueue_indirect_dma source(%dma_start3A_173 : memref<128x128xf32, #tpu.memory_space<vmem>>) target(%dma_start3A_179 : memref<10240x128xf32, #tpu.memory_space<vmem_shared>>) offsets(%dma_start3A_176 : memref<128xi32, #tpu.memory_space<vmem>>) semaphore(%run_scoped3A_169 : memref<!tpu.dma_semaphore, #tpu.memory_space<semaphore_mem>>) {add = true}
        %dma_wait3A_180 = arith.constant 0 : i32
        %dma_wait3A_181 = arith.constant 0 : i32
        %dma_wait3A_182 = tpu.memref_slice %arg8[%run_scoped3A_159, %dma_wait3A_180, %dma_wait3A_181] : memref<2x128x128xf32, #tpu.memory_space<vmem>> -> memref<1x128x128xf32, #tpu.memory_space<vmem>>
        %dma_wait3A_183 = tpu.memref_squeeze %dma_wait3A_182 : memref<1x128x128xf32, #tpu.memory_space<vmem>> -> memref<128x128xf32, #tpu.memory_space<vmem>>
        %dma_wait3A_184 = arith.constant 0 : i32
        %dma_wait3A_185 = tpu.memref_slice %arg7[%add3A_158, %dma_wait3A_184] : memref<40x128xi32, #tpu.memory_space<vmem>> -> memref<1x128xi32, #tpu.memory_space<vmem>>
        %dma_wait3A_186 = tpu.memref_squeeze %dma_wait3A_185 : memref<1x128xi32, #tpu.memory_space<vmem>> -> memref<128xi32, #tpu.memory_space<vmem>>
        %dma_wait3A_187 = arith.constant 0 : i32
        %dma_wait3A_188 = arith.constant 0 : i32
        %dma_wait3A_189 = tpu.memref_slice %arg9[%dma_wait3A_187, %dma_wait3A_188] : memref<10240x128xf32, #tpu.memory_space<vmem_shared>> -> memref<10240x128xf32, #tpu.memory_space<vmem_shared>>
        tpu.wait_indirect_dma semaphore(%run_scoped3A_169 : memref<!tpu.dma_semaphore, #tpu.memory_space<semaphore_mem>>) src(%dma_wait3A_183 : memref<128x128xf32, #tpu.memory_space<vmem>>) dst(%dma_wait3A_189 : memref<10240x128xf32, #tpu.memory_space<vmem_shared>>)
        tpu.yield
      }) : () -> ()
      %add3A_160 = arith.constant 1 : i32
      %add3A_161 = arith.addi %add3A_117, %add3A_160 : i32
      %add3A_162 = arith.constant 2 : i32
      %add3A_163 = arith.addi %add3A_161, %add3A_162 : i32
      %lt3A_164 = arith.constant 40 : i32
      %lt3A_165 = arith.cmpi slt, %add3A_163, %lt3A_164 : i32
      %convert_element_type3A_166 = arith.extui %lt3A_165 : i1 to i32
      %cond3A_167 = arith.constant 0 : i32
      %cond3A_168 = arith.cmpi ne, %convert_element_type3A_166, %cond3A_167 : i32
      scf.if %cond3A_168 {
        %dma_start3A_169 = arith.constant 1 : i32
        %dma_start3A_170 = arith.constant 0 : i32
        %dma_start3A_171 = arith.constant 0 : i32
        %dma_start3A_172 = tpu.memref_slice %arg8[%dma_start3A_169, %dma_start3A_170, %dma_start3A_171] : memref<2x128x128xf32, #tpu.memory_space<vmem>> -> memref<1x128x128xf32, #tpu.memory_space<vmem>>
        %dma_start3A_173 = tpu.memref_squeeze %dma_start3A_172 : memref<1x128x128xf32, #tpu.memory_space<vmem>> -> memref<128x128xf32, #tpu.memory_space<vmem>>
        %dma_start3A_174 = arith.constant 0 : i32
        %dma_start3A_175 = tpu.memref_slice %arg6[%add3A_163, %dma_start3A_174] : memref<40x128xi32, #tpu.memory_space<vmem>> -> memref<1x128xi32, #tpu.memory_space<vmem>>
        %dma_start3A_176 = tpu.memref_squeeze %dma_start3A_175 : memref<1x128xi32, #tpu.memory_space<vmem>> -> memref<128xi32, #tpu.memory_space<vmem>>
        %dma_start3A_177 = arith.constant 0 : i32
        %dma_start3A_178 = arith.constant 0 : i32
        %dma_start3A_179 = tpu.memref_slice %arg2[%dma_start3A_177, %dma_start3A_178] : memref<10000x128xf32, #tpu.memory_space<hbm>> -> memref<10000x128xf32, #tpu.memory_space<hbm>>
        tpu.enqueue_indirect_dma source(%dma_start3A_179 : memref<10000x128xf32, #tpu.memory_space<hbm>>) target(%dma_start3A_173 : memref<128x128xf32, #tpu.memory_space<vmem>>) offsets(%dma_start3A_176 : memref<128xi32, #tpu.memory_space<vmem>>) semaphore(%arg12 : memref<!tpu.dma_semaphore, #tpu.memory_space<semaphore_mem>>)
      } else {
      }
    }
    %scan3A_74 = arith.constant 20 : i32
    %add3A_75 = arith.constant 40 : i32
    %add3A_76 = arith.addi %mul3A_2, %add3A_75 : i32
    "tpu.region"() ({
      %run_scoped3A_113 = tpu.sem_alloc : memref<!tpu.dma_semaphore, #tpu.memory_space<semaphore_mem>>
      %dma_start3A_114 = arith.constant 0 : i32
      %dma_start3A_115 = tpu.memref_slice %arg3[%add3A_76, %dma_start3A_114] : memref<2560x128xi32, #tpu.memory_space<hbm>> -> memref<40x128xi32, #tpu.memory_space<hbm>>
      %dma_start3A_116 = arith.constant 0 : i32
      %dma_start3A_117 = tpu.memref_slice %arg3[%add3A_76, %dma_start3A_116] : memref<2560x128xi32, #tpu.memory_space<hbm>> -> memref<40x128xi32, #tpu.memory_space<hbm>>
      tpu.enqueue_dma source(%dma_start3A_117 : memref<40x128xi32, #tpu.memory_space<hbm>>) target(%arg6 : memref<40x128xi32, #tpu.memory_space<vmem>>) target_semaphore(%run_scoped3A_113 : memref<!tpu.dma_semaphore, #tpu.memory_space<semaphore_mem>>)
      %dma_wait3A_118 = arith.constant 0 : i32
      %dma_wait3A_119 = tpu.memref_slice %arg3[%add3A_76, %dma_wait3A_118] : memref<2560x128xi32, #tpu.memory_space<hbm>> -> memref<40x128xi32, #tpu.memory_space<hbm>>
      %dma_wait3A_120 = arith.constant 0 : i32
      %dma_wait3A_121 = tpu.memref_slice %arg3[%add3A_76, %dma_wait3A_120] : memref<2560x128xi32, #tpu.memory_space<hbm>> -> memref<40x128xi32, #tpu.memory_space<hbm>>
      tpu.wait_dma2 semaphore(%run_scoped3A_113 : memref<!tpu.dma_semaphore, #tpu.memory_space<semaphore_mem>>) src(%dma_wait3A_121 : memref<40x128xi32, #tpu.memory_space<hbm>>) dst(%arg6 : memref<40x128xi32, #tpu.memory_space<vmem>>)
      tpu.yield
    }) : () -> ()
    %add3A_77 = arith.constant 40 : i32
    %add3A_78 = arith.addi %mul3A_2, %add3A_77 : i32
    "tpu.region"() ({
      %run_scoped3A_113 = tpu.sem_alloc : memref<!tpu.dma_semaphore, #tpu.memory_space<semaphore_mem>>
      %dma_start3A_114 = arith.constant 0 : i32
      %dma_start3A_115 = tpu.memref_slice %arg4[%add3A_78, %dma_start3A_114] : memref<2560x128xi32, #tpu.memory_space<hbm>> -> memref<40x128xi32, #tpu.memory_space<hbm>>
      %dma_start3A_116 = arith.constant 0 : i32
      %dma_start3A_117 = tpu.memref_slice %arg4[%add3A_78, %dma_start3A_116] : memref<2560x128xi32, #tpu.memory_space<hbm>> -> memref<40x128xi32, #tpu.memory_space<hbm>>
      tpu.enqueue_dma source(%dma_start3A_117 : memref<40x128xi32, #tpu.memory_space<hbm>>) target(%arg7 : memref<40x128xi32, #tpu.memory_space<vmem>>) target_semaphore(%run_scoped3A_113 : memref<!tpu.dma_semaphore, #tpu.memory_space<semaphore_mem>>)
      %dma_wait3A_118 = arith.constant 0 : i32
      %dma_wait3A_119 = tpu.memref_slice %arg4[%add3A_78, %dma_wait3A_118] : memref<2560x128xi32, #tpu.memory_space<hbm>> -> memref<40x128xi32, #tpu.memory_space<hbm>>
      %dma_wait3A_120 = arith.constant 0 : i32
      %dma_wait3A_121 = tpu.memref_slice %arg4[%add3A_78, %dma_wait3A_120] : memref<2560x128xi32, #tpu.memory_space<hbm>> -> memref<40x128xi32, #tpu.memory_space<hbm>>
      tpu.wait_dma2 semaphore(%run_scoped3A_113 : memref<!tpu.dma_semaphore, #tpu.memory_space<semaphore_mem>>) src(%dma_wait3A_121 : memref<40x128xi32, #tpu.memory_space<hbm>>) dst(%arg7 : memref<40x128xi32, #tpu.memory_space<vmem>>)
      tpu.yield
    }) : () -> ()
    %dma_start3A_79 = arith.constant 0 : i32
    %dma_start3A_80 = arith.constant 0 : i32
    %dma_start3A_81 = arith.constant 0 : i32
    %dma_start3A_82 = arith.constant 0 : i32
    %dma_start3A_83 = tpu.memref_slice %arg8[%dma_start3A_80, %dma_start3A_81, %dma_start3A_82] : memref<2x128x128xf32, #tpu.memory_space<vmem>> -> memref<1x128x128xf32, #tpu.memory_space<vmem>>
    %dma_start3A_84 = tpu.memref_squeeze %dma_start3A_83 : memref<1x128x128xf32, #tpu.memory_space<vmem>> -> memref<128x128xf32, #tpu.memory_space<vmem>>
    %dma_start3A_85 = arith.constant 0 : i32
    %dma_start3A_86 = tpu.memref_slice %arg6[%dma_start3A_79, %dma_start3A_85] : memref<40x128xi32, #tpu.memory_space<vmem>> -> memref<1x128xi32, #tpu.memory_space<vmem>>
    %dma_start3A_87 = tpu.memref_squeeze %dma_start3A_86 : memref<1x128xi32, #tpu.memory_space<vmem>> -> memref<128xi32, #tpu.memory_space<vmem>>
    %dma_start3A_88 = arith.constant 0 : i32
    %dma_start3A_89 = arith.constant 0 : i32
    %dma_start3A_90 = tpu.memref_slice %arg2[%dma_start3A_88, %dma_start3A_89] : memref<10000x128xf32, #tpu.memory_space<hbm>> -> memref<10000x128xf32, #tpu.memory_space<hbm>>
    tpu.enqueue_indirect_dma source(%dma_start3A_90 : memref<10000x128xf32, #tpu.memory_space<hbm>>) target(%dma_start3A_84 : memref<128x128xf32, #tpu.memory_space<vmem>>) offsets(%dma_start3A_87 : memref<128xi32, #tpu.memory_space<vmem>>) semaphore(%arg11 : memref<!tpu.dma_semaphore, #tpu.memory_space<semaphore_mem>>)
    %dma_start3A_91 = arith.constant 1 : i32
    %dma_start3A_92 = arith.constant 1 : i32
    %dma_start3A_93 = arith.constant 0 : i32
    %dma_start3A_94 = arith.constant 0 : i32
    %dma_start3A_95 = tpu.memref_slice %arg8[%dma_start3A_92, %dma_start3A_93, %dma_start3A_94] : memref<2x128x128xf32, #tpu.memory_space<vmem>> -> memref<1x128x128xf32, #tpu.memory_space<vmem>>
    %dma_start3A_96 = tpu.memref_squeeze %dma_start3A_95 : memref<1x128x128xf32, #tpu.memory_space<vmem>> -> memref<128x128xf32, #tpu.memory_space<vmem>>
    %dma_start3A_97 = arith.constant 0 : i32
    %dma_start3A_98 = tpu.memref_slice %arg6[%dma_start3A_91, %dma_start3A_97] : memref<40x128xi32, #tpu.memory_space<vmem>> -> memref<1x128xi32, #tpu.memory_space<vmem>>
    %dma_start3A_99 = tpu.memref_squeeze %dma_start3A_98 : memref<1x128xi32, #tpu.memory_space<vmem>> -> memref<128xi32, #tpu.memory_space<vmem>>
    %dma_start3A_100 = arith.constant 0 : i32
    %dma_start3A_101 = arith.constant 0 : i32
    %dma_start3A_102 = tpu.memref_slice %arg2[%dma_start3A_100, %dma_start3A_101] : memref<10000x128xf32, #tpu.memory_space<hbm>> -> memref<10000x128xf32, #tpu.memory_space<hbm>>
    tpu.enqueue_indirect_dma source(%dma_start3A_102 : memref<10000x128xf32, #tpu.memory_space<hbm>>) target(%dma_start3A_96 : memref<128x128xf32, #tpu.memory_space<vmem>>) offsets(%dma_start3A_99 : memref<128xi32, #tpu.memory_space<vmem>>) semaphore(%arg12 : memref<!tpu.dma_semaphore, #tpu.memory_space<semaphore_mem>>)
    %scan3A_103 = arith.constant 0 : i32
    %scan3A_104 = arith.constant 20 : i32
    %scan3A_105 = arith.addi %scan3A_103, %scan3A_104 : i32
    %scan3A_106 = arith.constant 1 : i32
    scf.for %scan3A_113 = %scan3A_103 to %scan3A_105 step %scan3A_106  : i32 {
      %mul3A_114 = arith.constant 2 : i32
      %mul3A_115 = arith.muli %scan3A_113, %mul3A_114 : i32
      %add3A_116 = arith.constant 0 : i32
      %add3A_117 = arith.addi %add3A_116, %mul3A_115 : i32
      %dma_wait3A_118 = arith.constant 0 : i32
      %dma_wait3A_119 = arith.constant 0 : i32
      %dma_wait3A_120 = arith.constant 0 : i32
      %dma_wait3A_121 = tpu.memref_slice %arg8[%dma_wait3A_118, %dma_wait3A_119, %dma_wait3A_120] : memref<2x128x128xf32, #tpu.memory_space<vmem>> -> memref<1x128x128xf32, #tpu.memory_space<vmem>>
      %dma_wait3A_122 = tpu.memref_squeeze %dma_wait3A_121 : memref<1x128x128xf32, #tpu.memory_space<vmem>> -> memref<128x128xf32, #tpu.memory_space<vmem>>
      %dma_wait3A_123 = arith.constant 0 : i32
      %dma_wait3A_124 = arith.constant 0 : i32
      %dma_wait3A_125 = tpu.memref_slice %arg2[%dma_wait3A_123, %dma_wait3A_124] : memref<10000x128xf32, #tpu.memory_space<hbm>> -> memref<128x128xf32, #tpu.memory_space<hbm>>
      %dma_wait3A_126 = arith.constant 0 : i32
      %dma_wait3A_127 = arith.constant 0 : i32
      %dma_wait3A_128 = tpu.memref_slice %arg8[%dma_wait3A_118, %dma_wait3A_126, %dma_wait3A_127] : memref<2x128x128xf32, #tpu.memory_space<vmem>> -> memref<1x128x128xf32, #tpu.memory_space<vmem>>
      %dma_wait3A_129 = tpu.memref_squeeze %dma_wait3A_128 : memref<1x128x128xf32, #tpu.memory_space<vmem>> -> memref<128x128xf32, #tpu.memory_space<vmem>>
      %dma_wait3A_130 = arith.constant 0 : i32
      %dma_wait3A_131 = arith.constant 0 : i32
      %dma_wait3A_132 = tpu.memref_slice %arg2[%dma_wait3A_130, %dma_wait3A_131] : memref<10000x128xf32, #tpu.memory_space<hbm>> -> memref<128x128xf32, #tpu.memory_space<hbm>>
      tpu.wait_dma2 semaphore(%arg11 : memref<!tpu.dma_semaphore, #tpu.memory_space<semaphore_mem>>) src(%dma_wait3A_132 : memref<128x128xf32, #tpu.memory_space<hbm>>) dst(%dma_wait3A_129 : memref<128x128xf32, #tpu.memory_space<vmem>>)
      %add3A_133 = arith.constant 0 : i32
      %add3A_134 = arith.addi %add3A_117, %add3A_133 : i32
      %run_scoped3A_135 = arith.constant 0 : i32
      "tpu.region"() ({
        %run_scoped3A_169 = tpu.sem_alloc : memref<!tpu.dma_semaphore, #tpu.memory_space<semaphore_mem>>
        %dma_start3A_170 = arith.constant 0 : i32
        %dma_start3A_171 = arith.constant 0 : i32
        %dma_start3A_172 = tpu.memref_slice %arg8[%run_scoped3A_135, %dma_start3A_170, %dma_start3A_171] : memref<2x128x128xf32, #tpu.memory_space<vmem>> -> memref<1x128x128xf32, #tpu.memory_space<vmem>>
        %dma_start3A_173 = tpu.memref_squeeze %dma_start3A_172 : memref<1x128x128xf32, #tpu.memory_space<vmem>> -> memref<128x128xf32, #tpu.memory_space<vmem>>
        %dma_start3A_174 = arith.constant 0 : i32
        %dma_start3A_175 = tpu.memref_slice %arg7[%add3A_134, %dma_start3A_174] : memref<40x128xi32, #tpu.memory_space<vmem>> -> memref<1x128xi32, #tpu.memory_space<vmem>>
        %dma_start3A_176 = tpu.memref_squeeze %dma_start3A_175 : memref<1x128xi32, #tpu.memory_space<vmem>> -> memref<128xi32, #tpu.memory_space<vmem>>
        %dma_start3A_177 = arith.constant 0 : i32
        %dma_start3A_178 = arith.constant 0 : i32
        %dma_start3A_179 = tpu.memref_slice %arg9[%dma_start3A_177, %dma_start3A_178] : memref<10240x128xf32, #tpu.memory_space<vmem_shared>> -> memref<10240x128xf32, #tpu.memory_space<vmem_shared>>
        tpu.enqueue_indirect_dma source(%dma_start3A_173 : memref<128x128xf32, #tpu.memory_space<vmem>>) target(%dma_start3A_179 : memref<10240x128xf32, #tpu.memory_space<vmem_shared>>) offsets(%dma_start3A_176 : memref<128xi32, #tpu.memory_space<vmem>>) semaphore(%run_scoped3A_169 : memref<!tpu.dma_semaphore, #tpu.memory_space<semaphore_mem>>) {add = true}
        %dma_wait3A_180 = arith.constant 0 : i32
        %dma_wait3A_181 = arith.constant 0 : i32
        %dma_wait3A_182 = tpu.memref_slice %arg8[%run_scoped3A_135, %dma_wait3A_180, %dma_wait3A_181] : memref<2x128x128xf32, #tpu.memory_space<vmem>> -> memref<1x128x128xf32, #tpu.memory_space<vmem>>
        %dma_wait3A_183 = tpu.memref_squeeze %dma_wait3A_182 : memref<1x128x128xf32, #tpu.memory_space<vmem>> -> memref<128x128xf32, #tpu.memory_space<vmem>>
        %dma_wait3A_184 = arith.constant 0 : i32
        %dma_wait3A_185 = tpu.memref_slice %arg7[%add3A_134, %dma_wait3A_184] : memref<40x128xi32, #tpu.memory_space<vmem>> -> memref<1x128xi32, #tpu.memory_space<vmem>>
        %dma_wait3A_186 = tpu.memref_squeeze %dma_wait3A_185 : memref<1x128xi32, #tpu.memory_space<vmem>> -> memref<128xi32, #tpu.memory_space<vmem>>
        %dma_wait3A_187 = arith.constant 0 : i32
        %dma_wait3A_188 = arith.constant 0 : i32
        %dma_wait3A_189 = tpu.memref_slice %arg9[%dma_wait3A_187, %dma_wait3A_188] : memref<10240x128xf32, #tpu.memory_space<vmem_shared>> -> memref<10240x128xf32, #tpu.memory_space<vmem_shared>>
        tpu.wait_indirect_dma semaphore(%run_scoped3A_169 : memref<!tpu.dma_semaphore, #tpu.memory_space<semaphore_mem>>) src(%dma_wait3A_183 : memref<128x128xf32, #tpu.memory_space<vmem>>) dst(%dma_wait3A_189 : memref<10240x128xf32, #tpu.memory_space<vmem_shared>>)
        tpu.yield
      }) : () -> ()
      %add3A_136 = arith.constant 0 : i32
      %add3A_137 = arith.addi %add3A_117, %add3A_136 : i32
      %add3A_138 = arith.constant 2 : i32
      %add3A_139 = arith.addi %add3A_137, %add3A_138 : i32
      %lt3A = arith.constant 40 : i32
      %lt3A_140 = arith.cmpi slt, %add3A_139, %lt3A : i32
      %convert_element_type3A = arith.extui %lt3A_140 : i1 to i32
      %cond3A = arith.constant 0 : i32
      %cond3A_141 = arith.cmpi ne, %convert_element_type3A, %cond3A : i32
      scf.if %cond3A_141 {
        %dma_start3A_169 = arith.constant 0 : i32
        %dma_start3A_170 = arith.constant 0 : i32
        %dma_start3A_171 = arith.constant 0 : i32
        %dma_start3A_172 = tpu.memref_slice %arg8[%dma_start3A_169, %dma_start3A_170, %dma_start3A_171] : memref<2x128x128xf32, #tpu.memory_space<vmem>> -> memref<1x128x128xf32, #tpu.memory_space<vmem>>
        %dma_start3A_173 = tpu.memref_squeeze %dma_start3A_172 : memref<1x128x128xf32, #tpu.memory_space<vmem>> -> memref<128x128xf32, #tpu.memory_space<vmem>>
        %dma_start3A_174 = arith.constant 0 : i32
        %dma_start3A_175 = tpu.memref_slice %arg6[%add3A_139, %dma_start3A_174] : memref<40x128xi32, #tpu.memory_space<vmem>> -> memref<1x128xi32, #tpu.memory_space<vmem>>
        %dma_start3A_176 = tpu.memref_squeeze %dma_start3A_175 : memref<1x128xi32, #tpu.memory_space<vmem>> -> memref<128xi32, #tpu.memory_space<vmem>>
        %dma_start3A_177 = arith.constant 0 : i32
        %dma_start3A_178 = arith.constant 0 : i32
        %dma_start3A_179 = tpu.memref_slice %arg2[%dma_start3A_177, %dma_start3A_178] : memref<10000x128xf32, #tpu.memory_space<hbm>> -> memref<10000x128xf32, #tpu.memory_space<hbm>>
        tpu.enqueue_indirect_dma source(%dma_start3A_179 : memref<10000x128xf32, #tpu.memory_space<hbm>>) target(%dma_start3A_173 : memref<128x128xf32, #tpu.memory_space<vmem>>) offsets(%dma_start3A_176 : memref<128xi32, #tpu.memory_space<vmem>>) semaphore(%arg11 : memref<!tpu.dma_semaphore, #tpu.memory_space<semaphore_mem>>)
      } else {
      }
      %dma_wait3A_142 = arith.constant 1 : i32
      %dma_wait3A_143 = arith.constant 0 : i32
      %dma_wait3A_144 = arith.constant 0 : i32
      %dma_wait3A_145 = tpu.memref_slice %arg8[%dma_wait3A_142, %dma_wait3A_143, %dma_wait3A_144] : memref<2x128x128xf32, #tpu.memory_space<vmem>> -> memref<1x128x128xf32, #tpu.memory_space<vmem>>
      %dma_wait3A_146 = tpu.memref_squeeze %dma_wait3A_145 : memref<1x128x128xf32, #tpu.memory_space<vmem>> -> memref<128x128xf32, #tpu.memory_space<vmem>>
      %dma_wait3A_147 = arith.constant 0 : i32
      %dma_wait3A_148 = arith.constant 0 : i32
      %dma_wait3A_149 = tpu.memref_slice %arg2[%dma_wait3A_147, %dma_wait3A_148] : memref<10000x128xf32, #tpu.memory_space<hbm>> -> memref<128x128xf32, #tpu.memory_space<hbm>>
      %dma_wait3A_150 = arith.constant 0 : i32
      %dma_wait3A_151 = arith.constant 0 : i32
      %dma_wait3A_152 = tpu.memref_slice %arg8[%dma_wait3A_142, %dma_wait3A_150, %dma_wait3A_151] : memref<2x128x128xf32, #tpu.memory_space<vmem>> -> memref<1x128x128xf32, #tpu.memory_space<vmem>>
      %dma_wait3A_153 = tpu.memref_squeeze %dma_wait3A_152 : memref<1x128x128xf32, #tpu.memory_space<vmem>> -> memref<128x128xf32, #tpu.memory_space<vmem>>
      %dma_wait3A_154 = arith.constant 0 : i32
      %dma_wait3A_155 = arith.constant 0 : i32
      %dma_wait3A_156 = tpu.memref_slice %arg2[%dma_wait3A_154, %dma_wait3A_155] : memref<10000x128xf32, #tpu.memory_space<hbm>> -> memref<128x128xf32, #tpu.memory_space<hbm>>
      tpu.wait_dma2 semaphore(%arg12 : memref<!tpu.dma_semaphore, #tpu.memory_space<semaphore_mem>>) src(%dma_wait3A_156 : memref<128x128xf32, #tpu.memory_space<hbm>>) dst(%dma_wait3A_153 : memref<128x128xf32, #tpu.memory_space<vmem>>)
      %add3A_157 = arith.constant 1 : i32
      %add3A_158 = arith.addi %add3A_117, %add3A_157 : i32
      %run_scoped3A_159 = arith.constant 1 : i32
      "tpu.region"() ({
        %run_scoped3A_169 = tpu.sem_alloc : memref<!tpu.dma_semaphore, #tpu.memory_space<semaphore_mem>>
        %dma_start3A_170 = arith.constant 0 : i32
        %dma_start3A_171 = arith.constant 0 : i32
        %dma_start3A_172 = tpu.memref_slice %arg8[%run_scoped3A_159, %dma_start3A_170, %dma_start3A_171] : memref<2x128x128xf32, #tpu.memory_space<vmem>> -> memref<1x128x128xf32, #tpu.memory_space<vmem>>
        %dma_start3A_173 = tpu.memref_squeeze %dma_start3A_172 : memref<1x128x128xf32, #tpu.memory_space<vmem>> -> memref<128x128xf32, #tpu.memory_space<vmem>>
        %dma_start3A_174 = arith.constant 0 : i32
        %dma_start3A_175 = tpu.memref_slice %arg7[%add3A_158, %dma_start3A_174] : memref<40x128xi32, #tpu.memory_space<vmem>> -> memref<1x128xi32, #tpu.memory_space<vmem>>
        %dma_start3A_176 = tpu.memref_squeeze %dma_start3A_175 : memref<1x128xi32, #tpu.memory_space<vmem>> -> memref<128xi32, #tpu.memory_space<vmem>>
        %dma_start3A_177 = arith.constant 0 : i32
        %dma_start3A_178 = arith.constant 0 : i32
        %dma_start3A_179 = tpu.memref_slice %arg9[%dma_start3A_177, %dma_start3A_178] : memref<10240x128xf32, #tpu.memory_space<vmem_shared>> -> memref<10240x128xf32, #tpu.memory_space<vmem_shared>>
        tpu.enqueue_indirect_dma source(%dma_start3A_173 : memref<128x128xf32, #tpu.memory_space<vmem>>) target(%dma_start3A_179 : memref<10240x128xf32, #tpu.memory_space<vmem_shared>>) offsets(%dma_start3A_176 : memref<128xi32, #tpu.memory_space<vmem>>) semaphore(%run_scoped3A_169 : memref<!tpu.dma_semaphore, #tpu.memory_space<semaphore_mem>>) {add = true}
        %dma_wait3A_180 = arith.constant 0 : i32
        %dma_wait3A_181 = arith.constant 0 : i32
        %dma_wait3A_182 = tpu.memref_slice %arg8[%run_scoped3A_159, %dma_wait3A_180, %dma_wait3A_181] : memref<2x128x128xf32, #tpu.memory_space<vmem>> -> memref<1x128x128xf32, #tpu.memory_space<vmem>>
        %dma_wait3A_183 = tpu.memref_squeeze %dma_wait3A_182 : memref<1x128x128xf32, #tpu.memory_space<vmem>> -> memref<128x128xf32, #tpu.memory_space<vmem>>
        %dma_wait3A_184 = arith.constant 0 : i32
        %dma_wait3A_185 = tpu.memref_slice %arg7[%add3A_158, %dma_wait3A_184] : memref<40x128xi32, #tpu.memory_space<vmem>> -> memref<1x128xi32, #tpu.memory_space<vmem>>
        %dma_wait3A_186 = tpu.memref_squeeze %dma_wait3A_185 : memref<1x128xi32, #tpu.memory_space<vmem>> -> memref<128xi32, #tpu.memory_space<vmem>>
        %dma_wait3A_187 = arith.constant 0 : i32
        %dma_wait3A_188 = arith.constant 0 : i32
        %dma_wait3A_189 = tpu.memref_slice %arg9[%dma_wait3A_187, %dma_wait3A_188] : memref<10240x128xf32, #tpu.memory_space<vmem_shared>> -> memref<10240x128xf32, #tpu.memory_space<vmem_shared>>
        tpu.wait_indirect_dma semaphore(%run_scoped3A_169 : memref<!tpu.dma_semaphore, #tpu.memory_space<semaphore_mem>>) src(%dma_wait3A_183 : memref<128x128xf32, #tpu.memory_space<vmem>>) dst(%dma_wait3A_189 : memref<10240x128xf32, #tpu.memory_space<vmem_shared>>)
        tpu.yield
      }) : () -> ()
      %add3A_160 = arith.constant 1 : i32
      %add3A_161 = arith.addi %add3A_117, %add3A_160 : i32
      %add3A_162 = arith.constant 2 : i32
      %add3A_163 = arith.addi %add3A_161, %add3A_162 : i32
      %lt3A_164 = arith.constant 40 : i32
      %lt3A_165 = arith.cmpi slt, %add3A_163, %lt3A_164 : i32
      %convert_element_type3A_166 = arith.extui %lt3A_165 : i1 to i32
      %cond3A_167 = arith.constant 0 : i32
      %cond3A_168 = arith.cmpi ne, %convert_element_type3A_166, %cond3A_167 : i32
      scf.if %cond3A_168 {
        %dma_start3A_169 = arith.constant 1 : i32
        %dma_start3A_170 = arith.constant 0 : i32
        %dma_start3A_171 = arith.constant 0 : i32
        %dma_start3A_172 = tpu.memref_slice %arg8[%dma_start3A_169, %dma_start3A_170, %dma_start3A_171] : memref<2x128x128xf32, #tpu.memory_space<vmem>> -> memref<1x128x128xf32, #tpu.memory_space<vmem>>
        %dma_start3A_173 = tpu.memref_squeeze %dma_start3A_172 : memref<1x128x128xf32, #tpu.memory_space<vmem>> -> memref<128x128xf32, #tpu.memory_space<vmem>>
        %dma_start3A_174 = arith.constant 0 : i32
        %dma_start3A_175 = tpu.memref_slice %arg6[%add3A_163, %dma_start3A_174] : memref<40x128xi32, #tpu.memory_space<vmem>> -> memref<1x128xi32, #tpu.memory_space<vmem>>
        %dma_start3A_176 = tpu.memref_squeeze %dma_start3A_175 : memref<1x128xi32, #tpu.memory_space<vmem>> -> memref<128xi32, #tpu.memory_space<vmem>>
        %dma_start3A_177 = arith.constant 0 : i32
        %dma_start3A_178 = arith.constant 0 : i32
        %dma_start3A_179 = tpu.memref_slice %arg2[%dma_start3A_177, %dma_start3A_178] : memref<10000x128xf32, #tpu.memory_space<hbm>> -> memref<10000x128xf32, #tpu.memory_space<hbm>>
        tpu.enqueue_indirect_dma source(%dma_start3A_179 : memref<10000x128xf32, #tpu.memory_space<hbm>>) target(%dma_start3A_173 : memref<128x128xf32, #tpu.memory_space<vmem>>) offsets(%dma_start3A_176 : memref<128xi32, #tpu.memory_space<vmem>>) semaphore(%arg12 : memref<!tpu.dma_semaphore, #tpu.memory_space<semaphore_mem>>)
      } else {
      }
    }
    %scan3A_107 = arith.constant 20 : i32
    %barrier3A_108 = arith.constant 0 : index
    tpu.barrier barrier_id(%barrier3A_108)
    %mul3A_109 = arith.constant 640 : i32
    %mul3A_110 = arith.muli %arg1, %mul3A_109 : i32
    %mul3A_111 = arith.constant 640 : i32
    %mul3A_112 = arith.muli %arg1, %mul3A_111 : i32
    "tpu.region"() ({
      %run_scoped3A_113 = tpu.sem_alloc : memref<!tpu.dma_semaphore, #tpu.memory_space<semaphore_mem>>
      %dma_start3A_114 = arith.constant 0 : i32
      %dma_start3A_115 = tpu.memref_slice %arg5[%arg0, %mul3A_112, %dma_start3A_114] : memref<2x10240x128xf32, #tpu.memory_space<hbm>> -> memref<1x640x128xf32, #tpu.memory_space<hbm>>
      %dma_start3A_116 = tpu.memref_squeeze %dma_start3A_115 : memref<1x640x128xf32, #tpu.memory_space<hbm>> -> memref<640x128xf32, #tpu.memory_space<hbm>>
      %dma_start3A_117 = arith.constant 0 : i32
      %dma_start3A_118 = tpu.memref_slice %arg9[%mul3A_110, %dma_start3A_117] : memref<10240x128xf32, #tpu.memory_space<vmem_shared>> -> memref<640x128xf32, #tpu.memory_space<vmem_shared>>
      tpu.enqueue_dma source(%dma_start3A_118 : memref<640x128xf32, #tpu.memory_space<vmem_shared>>) target(%dma_start3A_116 : memref<640x128xf32, #tpu.memory_space<hbm>>) target_semaphore(%run_scoped3A_113 : memref<!tpu.dma_semaphore, #tpu.memory_space<semaphore_mem>>)
      %dma_wait3A_119 = arith.constant 0 : i32
      %dma_wait3A_120 = tpu.memref_slice %arg5[%arg0, %mul3A_112, %dma_wait3A_119] : memref<2x10240x128xf32, #tpu.memory_space<hbm>> -> memref<1x640x128xf32, #tpu.memory_space<hbm>>
      %dma_wait3A_121 = tpu.memref_squeeze %dma_wait3A_120 : memref<1x640x128xf32, #tpu.memory_space<hbm>> -> memref<640x128xf32, #tpu.memory_space<hbm>>
      %dma_wait3A_122 = arith.constant 0 : i32
      %dma_wait3A_123 = tpu.memref_slice %arg9[%mul3A_110, %dma_wait3A_122] : memref<10240x128xf32, #tpu.memory_space<vmem_shared>> -> memref<640x128xf32, #tpu.memory_space<vmem_shared>>
      tpu.wait_dma2 semaphore(%run_scoped3A_113 : memref<!tpu.dma_semaphore, #tpu.memory_space<semaphore_mem>>) src(%dma_wait3A_123 : memref<640x128xf32, #tpu.memory_space<vmem_shared>>) dst(%dma_wait3A_121 : memref<640x128xf32, #tpu.memory_space<hbm>>)
      tpu.yield
    }) : () -> ()
    return
  }
}

module attributes {stable_mosaic.version = 14 : i64} {
  func.func @_mlp_body(%arg0: i32, %arg1: memref<2000x128xf32, #tpu.memory_space<vmem>>, %arg2: memref<2x2000x128xf32, #tpu.memory_space<vmem>>, %arg3: memref<128x128xf32, #tpu.memory_space<vmem>>, %arg4: memref<1x128xf32, #tpu.memory_space<vmem>>, %arg5: memref<128x128xf32, #tpu.memory_space<vmem>>, %arg6: memref<1x128xf32, #tpu.memory_space<vmem>>, %arg7: memref<1x1xf32, #tpu.memory_space<smem>>, %arg8: memref<2000x128xf32, #tpu.memory_space<vmem>>) attributes {dimension_semantics = [#tpu.dimension_semantics<arbitrary>], iteration_bounds = array<i64: 5>, scalar_prefetch = 0 : i64, scratch_operands = 0 : i64, tpu.core_type = #tpu.core_type<tc>, window_params = [{transform_indices = @transform_0, window_bounds = array<i64: 2000, 128>}, {transform_indices = @transform_1, window_bounds = array<i64: 2, 2000, 128>}, {pipeline_mode = #tpu.pipeline_mode<synchronous>, transform_indices = @transform_2, window_bounds = array<i64: 128, 128>}, {pipeline_mode = #tpu.pipeline_mode<synchronous>, transform_indices = @transform_3, window_bounds = array<i64: 1, 128>}, {pipeline_mode = #tpu.pipeline_mode<synchronous>, transform_indices = @transform_4, window_bounds = array<i64: 128, 128>}, {pipeline_mode = #tpu.pipeline_mode<synchronous>, transform_indices = @transform_5, window_bounds = array<i64: 1, 128>}, {transform_indices = @transform_6, window_bounds = array<i64: 1, 1>}, {transform_indices = @transform_7, window_bounds = array<i64: 2000, 128>}]} {
    %get3A = arith.constant 0 : index
    %get3A_0 = arith.constant 0 : index
    %get3A_1 = memref.load %arg7[%get3A, %get3A_0] : memref<1x1xf32, #tpu.memory_space<smem>>
    %add3A = arith.constant 1.000000e+00 : f32
    %add3A_2 = arith.addf %add3A, %get3A_1 : f32
    %get3A_3 = arith.constant 0 : index
    %get3A_4 = arith.constant 0 : index
    %get3A_5 = vector.load %arg1[%get3A_3, %get3A_4] : memref<2000x128xf32, #tpu.memory_space<vmem>>, vector<2000x128xf32>
    %mul3A = vector.broadcast %add3A_2 : f32 to vector<2000x128xf32>
    %mul3A_6 = arith.mulf %mul3A, %get3A_5 : vector<2000x128xf32>
    %get3A_7 = arith.constant 0 : index
    %get3A_8 = arith.constant 0 : index
    %get3A_9 = arith.constant 0 : index
    %get3A_10 = vector.load %arg2[%get3A_7, %get3A_8, %get3A_9] : memref<2x2000x128xf32, #tpu.memory_space<vmem>>, vector<1x2000x128xf32>
    %get3A_11 = vector.shape_cast %get3A_10 : vector<1x2000x128xf32> to vector<2000x128xf32>
    %add3A_12 = arith.addf %mul3A_6, %get3A_11 : vector<2000x128xf32>
    %get3A_13 = arith.constant 1 : index
    %get3A_14 = arith.constant 0 : index
    %get3A_15 = arith.constant 0 : index
    %get3A_16 = vector.load %arg2[%get3A_13, %get3A_14, %get3A_15] : memref<2x2000x128xf32, #tpu.memory_space<vmem>>, vector<1x2000x128xf32>
    %get3A_17 = vector.shape_cast %get3A_16 : vector<1x2000x128xf32> to vector<2000x128xf32>
    %add3A_18 = arith.addf %add3A_12, %get3A_17 : vector<2000x128xf32>
    %get3A_19 = arith.constant 0 : index
    %get3A_20 = arith.constant 0 : index
    %get3A_21 = vector.load %arg3[%get3A_19, %get3A_20] : memref<128x128xf32, #tpu.memory_space<vmem>>, vector<128x128xf32>
    %dot_general3A = arith.constant dense<0.000000e+00> : vector<2000x128xf32>
    %dot_general3A_22 = tpu.matmul %add3A_18, %get3A_21, %dot_general3A {dimension_numbers = #tpu.dot_dimension_numbers<[1], [0], [0], [1], [0, 0, 1, 1], [], []>, transpose_lhs_hint = false} : vector<2000x128xf32>, vector<128x128xf32>, vector<2000x128xf32> -> vector<2000x128xf32>
    %get3A_23 = arith.constant 0 : index
    %get3A_24 = arith.constant 0 : index
    %get3A_25 = vector.load %arg4[%get3A_23, %get3A_24] : memref<1x128xf32, #tpu.memory_space<vmem>>, vector<1x128xf32>
    %add3A_26 = vector.broadcast %get3A_25 : vector<1x128xf32> to vector<2000x128xf32>
    %add3A_27 = arith.addf %dot_general3A_22, %add3A_26 : vector<2000x128xf32>
    %max3A = arith.constant 0.000000e+00 : f32
    %max3A_28 = vector.broadcast %max3A : f32 to vector<2000x128xf32>
    %max3A_29 = arith.maximumf %add3A_27, %max3A_28 : vector<2000x128xf32>
    %get3A_30 = arith.constant 0 : index
    %get3A_31 = arith.constant 0 : index
    %get3A_32 = vector.load %arg5[%get3A_30, %get3A_31] : memref<128x128xf32, #tpu.memory_space<vmem>>, vector<128x128xf32>
    %dot_general3A_33 = arith.constant dense<0.000000e+00> : vector<2000x128xf32>
    %dot_general3A_34 = tpu.matmul %max3A_29, %get3A_32, %dot_general3A_33 {dimension_numbers = #tpu.dot_dimension_numbers<[1], [0], [0], [1], [0, 0, 1, 1], [], []>, transpose_lhs_hint = false} : vector<2000x128xf32>, vector<128x128xf32>, vector<2000x128xf32> -> vector<2000x128xf32>
    %get3A_35 = arith.constant 0 : index
    %get3A_36 = arith.constant 0 : index
    %get3A_37 = vector.load %arg6[%get3A_35, %get3A_36] : memref<1x128xf32, #tpu.memory_space<vmem>>, vector<1x128xf32>
    %add3A_38 = vector.broadcast %get3A_37 : vector<1x128xf32> to vector<2000x128xf32>
    %add3A_39 = arith.addf %dot_general3A_34, %add3A_38 : vector<2000x128xf32>
    %swap3A = arith.constant 0 : index
    %swap3A_40 = arith.constant 0 : index
    %swap3A_41 = vector.load %arg8[%swap3A, %swap3A_40] : memref<2000x128xf32, #tpu.memory_space<vmem>>, vector<2000x128xf32>
    tpu.vector_store %arg8[%swap3A, %swap3A_40], %add3A_39 {strides = array<i32>} : memref<2000x128xf32, #tpu.memory_space<vmem>>, vector<2000x128xf32>,
    return
  }
  func.func @transform_0(%arg0: i32) -> (i32, i32) {
    %c0_i32 = arith.constant 0 : i32
    %c0_i32_0 = arith.constant 0 : i32
    return %arg0, %c0_i32 : i32, i32
  }
  func.func @transform_1(%arg0: i32) -> (i32, i32, i32) {
    %c0_i32 = arith.constant 0 : i32
    %c0_i32_0 = arith.constant 0 : i32
    %c0_i32_1 = arith.constant 0 : i32
    return %c0_i32, %arg0, %c0_i32_0 : i32, i32, i32
  }
  func.func @transform_2(%arg0: i32) -> (i32, i32) {
    %c0_i32 = arith.constant 0 : i32
    %c0_i32_0 = arith.constant 0 : i32
    %c0_i32_1 = arith.constant 0 : i32
    return %c0_i32, %c0_i32_0 : i32, i32
  }
  func.func @transform_3(%arg0: i32) -> (i32, i32) {
    %c0_i32 = arith.constant 0 : i32
    %c0_i32_0 = arith.constant 0 : i32
    %c0_i32_1 = arith.constant 0 : i32
    return %c0_i32, %c0_i32_0 : i32, i32
  }
  func.func @transform_4(%arg0: i32) -> (i32, i32) {
    %c0_i32 = arith.constant 0 : i32
    %c0_i32_0 = arith.constant 0 : i32
    %c0_i32_1 = arith.constant 0 : i32
    return %c0_i32, %c0_i32_0 : i32, i32
  }
  func.func @transform_5(%arg0: i32) -> (i32, i32) {
    %c0_i32 = arith.constant 0 : i32
    %c0_i32_0 = arith.constant 0 : i32
    %c0_i32_1 = arith.constant 0 : i32
    return %c0_i32, %c0_i32_0 : i32, i32
  }
  func.func @transform_6(%arg0: i32) -> (i32, i32) {
    %c0_i32 = arith.constant 0 : i32
    %c0_i32_0 = arith.constant 0 : i32
    %c0_i32_1 = arith.constant 0 : i32
    return %c0_i32, %c0_i32_0 : i32, i32
  }
  func.func @transform_7(%arg0: i32) -> (i32, i32) {
    %c0_i32 = arith.constant 0 : i32
    %c0_i32_0 = arith.constant 0 : i32
    return %arg0, %c0_i32 : i32, i32
  }
}

</mosaic_0001>

<sc_bundles>
// kernel: kernel.4.cloned.1.call-start
scs
__scs_entry_jumppad:
0x0: {  	(pc) =	sbr.rel $0x88, $3  }
0x1: {  	(tag) =	ssettag $0x0;
	lr =	simm.s32 $0x1  }
0x2: {  	[smem:$0x3F9A] =	sst lr;
	_ =	strace $0xD0000000  }
0x3: {  	_ = 	snop  }
0x4: {  	_ = 	snop  }
0x5: {  	_ = 	snop  }
0x6: {  	_ = 	snop  }
0x7: {  	_ = 	snop  }
__scs_overlays_trampoline_lowered:
0x8: {  	[smem:$0x3FA9] =	sst s0  }
0x9: {  	[smem:$0x3FAA] =	sst s1  }
0xa: {  	[smem:$0x3FAB] =	sst s2  }
0xb: {  	[smem:$0x3FAC] =	sst s3  }
0xc: {  	[smem:$0x3FAD] =	sst s4  }
0xd: {  	[smem:$0x3FAE] =	sst s5  }
0xe: {  	[smem:$0x3FAF] =	sst s6  }
0xf: {  	[smem:$0x3FB0] =	sst s7  }
0x10: {  	[smem:$0x3FB1] =	sst s8  }
0x11: {  	[smem:$0x3FB2] =	sst s9;
	s0 =	simm.s32 @!p0 $0x0  }
0x12: {  	s1 =	sld [smem:$0x3F98];
	s0 =	simm.s32 @p0 $0x1  }
0x13: {  	[smem:$0x3FB3] =	sst s0;
	s0 =	simm.s32 @!p1 $0x0  }
0x14: {  	s2 =	sld [smem:$0x3F97];
	s0 =	simm.s32 @p1 $0x1  }
0x15: {  	[smem:$0x3FB4] =	sst s0;
	s0 =	simm.s32 @!p2 $0x0  }
0x16: {  	s3 =	sld [smem:$0x3FDB];
	s0 =	simm.s32 @p2 $0x1  }
0x17: {  	s4 =	simm.s32 $0x1BF5;
	[smem:$0x3FB6] =	sst s0  }
0x18: {  	s0 =	sld [smem:$0x3F99];
	_ =	swait.ge [sflag:s4], $0x0  }
0x19: {  	s7 =	sld [smem:$0x3F9A]  }
0x1a: {  	s8 =	sadd.s32 $0xFFFFE003, lr  }
0x1b: {  	s9 =	sadd.s32 $0xFFFFFEF7, lr;
	s5 =	simm.s32 $0xFFFFFFFF;
	p2 =	slt.u32 s8, $0xFFFFF086  }
0x1c: {  	p1 =	slt.u32 s9, $0xF7A;
	s5 =	simm.s32 @!p2 $0x0  }
0x1d: {  	s5 =	simm.s32 @p1 $0x1;
	p0 =	seq.s32 s7, s2  }
0x1e: {  	s7 =	smul.u32 @!p0 $0xF7A, s2;
	p2 =	seq.s32 @!p0 s5, $0x0  }
0x1f: {  	s9 =	smul.u32 $0xF7A, s1;
	s8 =	simm.s32 @!p0 $0x1BF5;
	p2 =	por !p2, p0  }
0x20: {  	[sflag:s8] =	ssyncset.s32 @!p0 $0xFFFFF086;
	s6 =	sadd.s32 @!p0 s3, s7;
	s7 =	simm.s32 @!p0 $0x108  }
0x21: {  	s3 =	sadd.s32 s3, s9;
	s6 =	sadd.s32 @!p0 $0x88, s6;
	s7 =	simm.s32 @p2 $0x1082  }
0x22: {  	[simem:s7], [sflag:s8] =	dma.local @!p0 [hbm:s6], $0xF7A  }
0x23: {  	s9 =	sor.u32 $0xD0000000, s2;
	s6 =	simm.s32 $0x108;
	_ =	swait.ge @!p0 [sflag:s8], $0x0  }
0x24: {  	s3 =	sadd.s32 $0x88, s3;
	s6 =	simm.s32 @!p1 $0x1082;
	[sflag:s4] =	ssyncset.s32 $0xFFFFF086  }
0x25: {  	[simem:s6], [sflag:s4] =	dma.local [hbm:s3], $0xF7A  }
0x26: {  	[smem:$0x3F9A] =	sst s1;
	(tag) =	ssettag s2;
	_ =	strace s9  }
0x27: {  	s1 =	sld [smem:$0x3FAA]  }
0x28: {  	s2 =	sld [smem:$0x3FAB]  }
0x29: {  	s4 =	sld [smem:$0x3FAD]  }
0x2a: {  	p0 =	seq.s32 s5, $0x0;
	s5 =	sld [smem:$0x3FAE]  }
0x2b: {  	s6 =	sld [smem:$0x3FAF]  }
0x2c: {  	s7 =	sld [smem:$0x3FB0]  }
0x2d: {  	s3 =	simm.s32 $0x108;
	s8 =	sld [smem:$0x3FB1]  }
0x2e: {  	s3 =	simm.s32 @!p0 $0x1082;
	s9 =	sld [smem:$0x3FB2]  }
0x2f: {  	lr =	sadd.s32 s0, s3;
	s0 =	sld [smem:$0x3FA9]  }
0x30: {  	s3 =	sld [smem:$0x3FAC]  }
0x31: {  	[smem:$0x3FB5] =	sst s10  }
0x32: {  	s10 =	sld [smem:$0x3FB3];
	_ =	sdelay $0x3  }
0x33: {  	p0 =	seq.s32 s10, $0x1;
	s10 =	sld [smem:$0x3FB5];
	_ =	sdelay $0x3  }
0x34: {  	[smem:$0x3FB5] =	sst s10  }
0x35: {  	s10 =	sld [smem:$0x3FB4];
	_ =	sdelay $0x3  }
0x36: {  	p1 =	seq.s32 s10, $0x1;
	s10 =	sld [smem:$0x3FB5];
	_ =	sdelay $0x3  }
0x37: {  	[smem:$0x3FB5] =	sst s10  }
0x38: {  	s10 =	sld [smem:$0x3FB6]  }
0x39: {  	_ = 	snop;
	(pc) =	sbr.ind lr, $3  }
0x3a: {  	_ = 	snop  }
0x3b: {  	_ = 	snop  }
0x3c: {  	p2 =	seq.s32 s10, $0x1;
	s10 =	sld [smem:$0x3FB5]  }
0x3d: {  	_ =	shalt  }
0x3e: {  	_ =	shalt  }
0x3f: {  	_ =	shalt  }
0x40: {  	_ =	shalt  }
0x41: {  	_ =	shalt  }
0x42: {  	_ =	shalt  }
0x43: {  	_ =	shalt  }
0x44: {  	_ =	shalt  }
0x45: {  	_ =	shalt  }
0x46: {  	_ =	shalt  }
0x47: {  	_ =	shalt  }
0x48: {  	_ =	shalt  }
0x49: {  	_ =	shalt  }
0x4a: {  	_ =	shalt  }
0x4b: {  	_ =	shalt  }
0x4c: {  	_ =	shalt  }
0x4d: {  	_ =	shalt  }
0x4e: {  	_ =	shalt  }
0x4f: {  	_ =	shalt  }
0x50: {  	_ =	shalt  }
0x51: {  	_ =	shalt  }
0x52: {  	_ =	shalt  }
0x53: {  	_ =	shalt  }
0x54: {  	_ =	shalt  }
0x55: {  	_ =	shalt  }
0x56: {  	_ =	shalt  }
0x57: {  	_ =	shalt  }
0x58: {  	_ =	shalt  }
0x59: {  	_ =	shalt  }
0x5a: {  	_ =	shalt  }
0x5b: {  	_ =	shalt  }
0x5c: {  	_ =	shalt  }
0x5d: {  	_ =	shalt  }
0x5e: {  	_ =	shalt  }
0x5f: {  	_ =	shalt  }
0x60: {  	_ =	shalt  }
0x61: {  	_ =	shalt  }
0x62: {  	_ =	shalt  }
0x63: {  	_ =	shalt  }
0x64: {  	_ =	shalt  }
0x65: {  	_ =	shalt  }
0x66: {  	_ =	shalt  }
0x67: {  	_ =	shalt  }
0x68: {  	_ =	shalt  }
0x69: {  	_ =	shalt  }
0x6a: {  	_ =	shalt  }
0x6b: {  	_ =	shalt  }
0x6c: {  	_ =	shalt  }
0x6d: {  	_ =	shalt  }
0x6e: {  	_ =	shalt  }
0x6f: {  	_ =	shalt  }
0x70: {  	_ =	shalt  }
0x71: {  	_ =	shalt  }
0x72: {  	_ =	shalt  }
0x73: {  	_ =	shalt  }
0x74: {  	_ =	shalt  }
0x75: {  	_ =	shalt  }
0x76: {  	_ =	shalt  }
0x77: {  	_ =	shalt  }
0x78: {  	_ =	shalt  }
0x79: {  	_ =	shalt  }
0x7a: {  	_ =	shalt  }
0x7b: {  	_ =	shalt  }
0x7c: {  	_ =	shalt  }
0x7d: {  	_ =	shalt  }
0x7e: {  	_ =	shalt  }
0x7f: {  	_ =	shalt  }
0x80: {  	_ =	shalt  }
0x81: {  	_ =	shalt  }
0x82: {  	_ =	shalt  }
0x83: {  	_ =	shalt  }
0x84: {  	_ =	shalt  }
0x85: {  	_ =	shalt  }
0x86: {  	_ =	shalt  }
0x87: {  	_ =	shalt  }
.Lfunc_end0:
.L_simem_size_0:
called_computation_lowered:
.L_overlay_start_0:
0x88: {  	s2 =	sld [smem:$0x3FD9]  }
0x89: {  	s3 =	sld [smem:$0x3FFE];
	_ =	sdelay $0x1  }
0x8a: {  	s1 =	srdreg.scid  }
0x8b: {  	s0 =	sand.u32 $0x1, s1  }
0x8c: {  	s17 =	sshll.u32 s0, $0xA;
	s2 =	sadd.s32 s3, s2  }
0x8d: {  	s2 =	sadd.s32 s2, s17  }
0x8e: {  	[smem:$0x3FC1] =	sst s2  }
0x8f: {  	_ = 	snop  }
0x90: {  	s2 =	sld [smem:$0x3FC9]  }
0x91: {  	s18 =	sld [smem:$0x3FD0];
	(tm) =	ssettm $0x1  }
0x92: {  	s4 =	sld [smem:$0x3FFB];
	_ =	sdelay $0x3  }
0x93: {  	_ =	strace s4  }
0x94: {  	s4 =	sld [smem:$0x3FFC];
	_ =	sdelay $0x3  }
0x95: {  	_ =	strace s4  }
0x96: {  	s4 =	sld [smem:$0x3FFD];
	_ =	sdelay $0x3  }
0x97: {  	_ =	strace s4  }
0x98: {  	_ =	strace $0x8FFFFFFF  }
0x99: {  	s19 =	sld [smem:$0x3FDB];
	_ =	sdelay $0x1  }
0x9a: {  	s5 =	simm.s32 $_scs_section_size  }
0x9b: {  	s6 =	simm.s32 $_size__tile_overlayer_lowered;
	s7 =	simm.s32 $_tile_overlayer_lowered  }
0x9c: {  	s22 =	simm.s32 $0x1BFF;
	s21 =	sshll.u32 s7, $0x1;
	s4 =	sadd.s32 s5, s19  }
0x9d: {  	s8 =	simm.s32 $0x0;
	s20 =	sshll.u32 s6, $0x1;
	s6 =	sadd.s32 s21, s4  }
0x9e: {  	[timem:s8], [sflag:s22] =	dma.local [hbm:s6], s20  }
0x9f: {  	_ =	swait.ge [sflag:s22], s20  }
0xa0: {  	s5 =	ssub.s32 $0x0, s20;
	[sflag:s22] =	ssyncset.done $0x0  }
0xa1: {  	[sflag:s22] =	ssyncadd.s32 s5;
	_ =	sdelay $0x1  }
0xa2: {  	s23 =	simm.s32 $0x1B8B  }
0xa3: {  	_ =	swait.ge [sflag:s23], $0x1  }
0xa4: {  	[sflag:s23] =	ssyncset.done $0x0  }
0xa5: {  	s25 =	simm.s32 $0x1B8E;
	s24 =	sld [smem:$0x3FFE];
	[sflag:s23] =	ssyncadd.s32 $0xFFFFFFFF  }
0xa6: {  	s26 =	simm.s32 $execute0_lowered;
	[smem:$0x3FD2] =	sst s25  }
0xa7: {  	s6 =	sshll.u32 s26, $0x1;
	_ =	strace $0x80000046;
	[dreg:$0x1] =	wrdreg $0xFFFFFFFF  }
0xa8: {  	s28 =	simm.s32 $_size_execute0_lowered;
	s4 =	sadd.s32 s4, s6;
	[dreg:$0x0] =	wrdreg $0x0  }
0xa9: {  	s6 =	sshll.u32 s28, $0x1;
	[dreg:$0x2] =	wrdreg s4  }
0xaa: {  	[dreg:$0x3] =	wrdreg s6  }
0xab: {  	[dreg:$0x4] =	wrdreg $0xC0  }
0xac: {  	_ =	task [dreg:s8], $0x5FFFF  }
0xad: {  	[dreg:$0x1] =	wrdreg $0xFFFFFFFF  }
0xae: {  	[dreg:$0x0] =	wrdreg $0x60  }
0xaf: {  	[dreg:$0x2] =	wrdreg s2  }
0xb0: {  	[dreg:$0x3] =	wrdreg s18  }
0xb1: {  	[dreg:$0x4] =	wrdreg s24  }
0xb2: {  	[dreg:$0x5] =	wrdreg $0xA8000  }
0xb3: {  	[dreg:$0x6] =	wrdreg $0x9  }
0xb4: {  	_ =	task.clear_ibuf [dreg:s8], $0x7FFFF;
	_ =	strace $0x90000046  }
0xb5: {  	s29 =	simm.s32 $0x9;
	_ =	strace $0x80000048  }
0xb6: {  	_ =	swait.ge [sflag:s29], $0x1  }
0xb7: {  	[sflag:s29] =	ssyncadd.s32 $0xFFFFFFFF  }
0xb8: {  	_ =	strace $0x90000048  }
0xb9: {  	_ =	sfence  }
0xba: {  	s30 =	sld [smem:$0x0];
	_ =	sdelay $0x2  }
0xbb: {  	s31 =	sshll.u32 s1, $0xD;
	s1 =	sshrl.u32 s1, $0x2  }
0xbc: {  	s3 =	sand.u32 $0x4000, s31;
	s1 =	sadd.s32 s1, s30  }
0xbd: {  	s0 =	sor.u32 s3, s0;
	s1 =	sshll.u32 s1, $0x11  }
0xbe: {  	s0 =	sor.u32 s1, s0  }
0xbf: {  	s0 =	sadd.s32 $0x8F2B, s0  }
0xc0: {  	[sflag:s0] =	ssyncadd.remote.s32 $0x1  }
0xc1: {  	_ =	sfence.sel $0xFFFF  }
0xc2: {  	[dreg:$0x0] =	wrdreg $0xFFFFFFFF;
	(pc) =	sbr.abs _section_cstart, $3  }
0xc3: {  	[dreg:$0x1] =	wrdreg $0xFFFFFFFF  }
0xc4: {  	_ =	task.clear_ibuf [dreg:s8], $0x2FFFF;
	_ =	strace $0x9FFFFFFF  }
0xc5: {  	(tm) =	ssettm $0x7FFFFFFF  }
tec
execute0_lowered:
.L_overlay_start_1:
0x0: {  	(tag) =	ssettag $0x1  }
0x1: {  	s0 =	rddreg [dreg:$0x0]  }
0x2: {  	s12 =	rddreg [dreg:$0x1]  }
0x3: {  	s5 =	rddreg [dreg:$0x2]  }
0x4: {  	s1 =	srdreg.scid;
	s3 =	rddreg [dreg:$0x3]  }
0x5: {  	s2 =	stileid.u32;
	s4 =	simm.s32 $0x0;
	s17 =	simm.s32 $0x2800  }
0x6: {  	s18 =	simm.s32 $0x4;
	s19 =	simm.s32 $0x1;
	s20 =	simm.s32 $0x80  }
0x7: {  	s21 =	simm.s32 $0x6800;
	s22 =	simm.s32 $0x2;
	s23 =	simm.s32 $0x3  }
0x8: {  	s24 =	simm.s32 $0x2700;
	s25 =	simm.s32 $0x2780;
	s26 =	simm.s32 $0x0  }
0x9: {  	s6 =	sand.u32 $0x1, s1;
	s1 =	rddreg [dreg:$0x4];
	s8 =	smul.u32 $0x14000, s2  }
0xa: {  	[smem:$0x7FF] =	sst s4;
	s13 =	sadd.s32 $0xE00, s5;
	s7 =	smul.u32 $0x140000, s6  }
0xb: {  	s9 =	smul.u32 $0x50000, s2;
	_ =	strace $0x80000047;
	s29 =	sshll.u32 s6, $0x4  }
0xc: {  	s6 =	ssub.s32 $0x2, s6;
	s7 =	sadd.s32 s8, s7;
	s8 =	sor.u32 s2, s29  }
0xd: {  	s30 =	sshrl.u32 s6, $0x1;
	s9 =	sshrl.u32 s9, $0x2;
	s31 =	smul.u32 $0x500, s8  }
0xe: {  	s15 =	ssub.s32 s6, s30;
	s7 =	sshrl.u32 s7, $0x3;
	s10 =	smul.u32 $0x2800, s8  }
0xf: {  	s15 =	smax.u32 s15, $0x1;
	s14 =	sadd.s32 s7, s5;
	s7 =	sadd.s32 s9, s3  }
0x10: {  	s5 =	sadd.s32 s12, s31;
	s6 =	sadd.s32 s13, s31;
	s8 =	sadd.s32 $0x4000, s7  }
0x11: {  	s9 =	sadd.s32 $0x8000, s7;
	s16 =	sshrl.u32 s10, $0x3;
	s10 =	sadd.s32 $0xC000, s7  }
0x12: {  	s11 =	sadd.s32 $0x10000, s7;
	s14 =	sadd.s32 $0xAE00, s14;
	s16 =	sadd.s32 $0x280, s16  }
0x13: {  	v0 =	vimm.f32 $0.0e+00;
	s12 =	sadd.s32 s12, s16;
	s13 =	sadd.s32 s13, s16;
	s16 =	simm.s32 $0x1400  }
.LBB2_1:
0x14: {  	[tilespmem:s4], [sflag:$0x1] =	stream.linear.gather [hbm4b:s5+s4], $0x1400, $0x38;
	[tilespmem:$0x1E800] =	vst v63  }
0x15: {  	s28 =	sand.u32 $0xFE00, s4  }
0x16: {  	s29 =	sand.u32 $0x70, s4;
	s30 =	sshrl.u32 s28, $0x2  }
0x17: {  	[tilespmem:s16], [sflag:$0x1] =	stream.linear.gather [hbm4b:s6+s4], $0x1400, $0x38;
	[tilespmem:$0x1E800] =	vst v63  }
0x18: {  	s28 =	simm.s32 $0x40;
	s30 =	sor.u32 s29, s30;
	s29 =	simm.s32 $0x0  }
.LBB2_2:
0x19: {  	p0 =	sne.s32 s28, $0xFFC0  }
0x1a: {  	[tilespmem:s30+$0x2800] =	vst v0;
	s29 =	sadd.s32 $0x10, s29;
	s30 =	smov.u32 s28;
	s28 =	sadd.s32 $0x40, s28  }
.Ltmp0:
0x1b: {  	(pc) =	sbr.rel @p0 .LBB2_2-.Ltmp0, $4  }
0x1c: {  	_ = 	snop  }
0x1d: {  	s30 =	sand.u32 $0xFE00, s30  }
0x1e: {  	s31 =	sand.u32 $0x70, s29;
	s30 =	sshrl.u32 s30, $0x2  }
0x1f: {  	s30 =	sor.u32 s31, s30  }
0x20: {  	[tilespmem:s30+$0x2800] =	vst v0  }
0x21: {  	[spmem:s7] =	stream.linear.scatter [tilespmem:s17], [sflag:$0x4], $0x4000, $0x38;
	[tilespmem:$0x1E800] =	vst v63  }
0x22: {  	_ =	swait.ge [sflag:s18], $0x4000  }
0x23: {  	[sflag:s18] =	ssyncset.done $0x0  }
0x24: {  	[sflag:s18] =	ssyncadd.s32 $0xFFFFC000  }
0x25: {  	[spmem:s8] =	stream.linear.scatter [tilespmem:s17], [sflag:$0x4], $0x4000, $0x38;
	[tilespmem:$0x1E800] =	vst v63  }
0x26: {  	_ =	swait.ge [sflag:s18], $0x4000  }
0x27: {  	[sflag:s18] =	ssyncset.done $0x0  }
0x28: {  	[sflag:s18] =	ssyncadd.s32 $0xFFFFC000  }
0x29: {  	[spmem:s9] =	stream.linear.scatter [tilespmem:s17], [sflag:$0x4], $0x4000, $0x38;
	[tilespmem:$0x1E800] =	vst v63  }
0x2a: {  	_ =	swait.ge [sflag:s18], $0x4000  }
0x2b: {  	[sflag:s18] =	ssyncset.done $0x0  }
0x2c: {  	[sflag:s18] =	ssyncadd.s32 $0xFFFFC000  }
0x2d: {  	[spmem:s10] =	stream.linear.scatter [tilespmem:s17], [sflag:$0x4], $0x4000, $0x38;
	[tilespmem:$0x1E800] =	vst v63  }
0x2e: {  	_ =	swait.ge [sflag:s18], $0x4000  }
0x2f: {  	[sflag:s18] =	ssyncset.done $0x0  }
0x30: {  	[sflag:s18] =	ssyncadd.s32 $0xFFFFC000  }
0x31: {  	[spmem:s11] =	stream.linear.scatter [tilespmem:s17], [sflag:$0x4], $0x4000, $0x38;
	[tilespmem:$0x1E800] =	vst v63  }
0x32: {  	_ =	swait.ge [sflag:s18], $0x4000  }
0x33: {  	[sflag:s18] =	ssyncset.done $0x0  }
0x34: {  	[sflag:s18] =	ssyncadd.s32 $0xFFFFC000  }
0x35: {  	_ =	swait.ge [sflag:s19], $0x1400  }
0x36: {  	[sflag:s19] =	ssyncset.done $0x0  }
0x37: {  	[sflag:s19] =	ssyncadd.s32 $0xFFFFEC00  }
0x38: {  	_ =	swait.ge [sflag:s19], $0x1400  }
0x39: {  	[sflag:s19] =	ssyncset.done $0x0  }
0x3a: {  	[sflag:s19] =	ssyncadd.s32 $0xFFFFEC00  }
0x3b: {  	s28 =	simm.s32 $0x0;
	[bflag:$0x0] =	sbarrier.arrive $0xFFFF  }
0x3c: {  	[tilespmem:s17], [sflag:$0x2] =	stream.indirect.gather [hbm4b:s0+s20], $0x80, s28, s20, $0xb8;
	[tilespmem:$0x1E800] =	vst v63  }
0x3d: {  	_ = 	snop  }
0x3e: {  	[tilespmem:s21], [sflag:$0x3] =	stream.indirect.gather [hbm4b:s0+s20], $0x80, s20, s20, $0xb8;
	[tilespmem:$0x1E800] =	vst v63  }
0x3f: {  	_ =	swait.ge [sflag:s22], $0x4000  }
0x40: {  	[sflag:s22] =	ssyncset.done $0x0  }
0x41: {  	s28 =	simm.s32 $0x1400;
	[sflag:s22] =	ssyncadd.s32 $0xFFFFC000  }
0x42: {  	[spmem:s3] =	stream.indirect.scatter.add.f32 [tilespmem:s17], [sflag:$0x4], $0x80, s28, s20, $0xb8;
	[tilespmem:$0x1E800] =	vst v63  }
0x43: {  	_ =	swait.ge [sflag:s18], $0x4000  }
0x44: {  	[sflag:s18] =	ssyncset.done $0x0  }
0x45: {  	s28 =	simm.s32 $0x100;
	[sflag:s18] =	ssyncadd.s32 $0xFFFFC000  }
0x46: {  	[tilespmem:s17], [sflag:$0x2] =	stream.indirect.gather [hbm4b:s0+s20], $0x80, s28, s20, $0xb8;
	[tilespmem:$0x1E800] =	vst v63  }
0x47: {  	_ =	swait.ge [sflag:s23], $0x4000  }
0x48: {  	[sflag:s23] =	ssyncset.done $0x0  }
0x49: {  	s28 =	simm.s32 $0x1480;
	[sflag:s23] =	ssyncadd.s32 $0xFFFFC000  }
0x4a: {  	[spmem:s3] =	stream.indirect.scatter.add.f32 [tilespmem:s21], [sflag:$0x4], $0x80, s28, s20, $0xb8;
	[tilespmem:$0x1E800] =	vst v63  }
0x4b: {  	_ =	swait.ge [sflag:s18], $0x4000  }
0x4c: {  	[sflag:s18] =	ssyncset.done $0x0  }
0x4d: {  	s29 =	simm.s32 $0x180;
	s28 =	simm.s32 $0x400;
	[sflag:s18] =	ssyncadd.s32 $0xFFFFC000  }
.LBB2_4:
0x4e: {  	[tilespmem:s21], [sflag:$0x3] =	stream.indirect.gather [hbm4b:s0+s20], $0x80, s29, s20, $0xb8;
	[tilespmem:$0x1E800] =	vst v63  }
0x4f: {  	s29 =	smov.u32 s28  }
0x50: {  	p0 =	sne.s32 s28, $0x4800;
	s28 =	sadd.s32 $0x400, s28;
	_ =	swait.ge [sflag:s22], $0x4000  }
0x51: {  	s29 =	sshra.s32 s29, $0x2;
	[sflag:s22] =	ssyncset.done $0x0  }
0x52: {  	s30 =	sadd.s32 $0x1400, s29;
	[sflag:s22] =	ssyncadd.s32 $0xFFFFC000  }
0x53: {  	[spmem:s3] =	stream.indirect.scatter.add.f32 [tilespmem:s17], [sflag:$0x4], $0x80, s30, s20, $0xb8;
	[tilespmem:$0x1E800] =	vst v63  }
0x54: {  	_ =	swait.ge [sflag:s18], $0x4000  }
0x55: {  	[sflag:s18] =	ssyncset.done $0x0  }
0x56: {  	s30 =	sadd.s32 $0x100, s29;
	[sflag:s18] =	ssyncadd.s32 $0xFFFFC000  }
0x57: {  	[tilespmem:s17], [sflag:$0x2] =	stream.indirect.gather [hbm4b:s0+s20], $0x80, s30, s20, $0xb8;
	[tilespmem:$0x1E800] =	vst v63  }
0x58: {  	_ =	swait.ge [sflag:s23], $0x4000  }
0x59: {  	[sflag:s23] =	ssyncset.done $0x0  }
.Ltmp1:
0x5a: {  	s30 =	sadd.s32 $0x1480, s29;
	[sflag:s23] =	ssyncadd.s32 $0xFFFFC000;
	(pc) =	sbr.rel @p0 .LBB2_4-.Ltmp1, $4  }
0x5b: {  	[spmem:s3] =	stream.indirect.scatter.add.f32 [tilespmem:s21], [sflag:$0x4], $0x80, s30, s20, $0xb8;
	[tilespmem:$0x1E800] =	vst v63  }
0x5c: {  	_ =	swait.ge [sflag:s18], $0x4000  }
0x5d: {  	[sflag:s18] =	ssyncset.done $0x0  }
0x5e: {  	s29 =	sadd.s32 $0x180, s29;
	[sflag:s18] =	ssyncadd.s32 $0xFFFFC000  }
0x5f: {  	[tilespmem:s21], [sflag:$0x3] =	stream.indirect.gather [hbm4b:s0+s20], $0x80, s29, s20, $0xb8;
	[tilespmem:$0x1E800] =	vst v63  }
0x60: {  	_ =	swait.ge [sflag:s22], $0x4000  }
0x61: {  	[sflag:s22] =	ssyncset.done $0x0  }
0x62: {  	[sflag:s22] =	ssyncadd.s32 $0xFFFFC000  }
0x63: {  	[spmem:s3] =	stream.indirect.scatter.add.f32 [tilespmem:s17], [sflag:$0x4], $0x80, s24, s20, $0xb8;
	[tilespmem:$0x1E800] =	vst v63  }
0x64: {  	_ =	swait.ge [sflag:s18], $0x4000  }
0x65: {  	[sflag:s18] =	ssyncset.done $0x0  }
0x66: {  	[sflag:s18] =	ssyncadd.s32 $0xFFFFC000  }
0x67: {  	_ =	swait.ge [sflag:s23], $0x4000  }
0x68: {  	[sflag:s23] =	ssyncset.done $0x0  }
0x69: {  	[sflag:s23] =	ssyncadd.s32 $0xFFFFC000  }
0x6a: {  	[spmem:s3] =	stream.indirect.scatter.add.f32 [tilespmem:s21], [sflag:$0x4], $0x80, s25, s20, $0xb8;
	[tilespmem:$0x1E800] =	vst v63  }
0x6b: {  	_ =	swait.ge [sflag:s18], $0x4000  }
0x6c: {  	[sflag:s18] =	ssyncset.done $0x0  }
0x6d: {  	s28 =	simm.s32 $0x0;
	[sflag:s18] =	ssyncadd.s32 $0xFFFFC000  }
0x6e: {  	[tilespmem:s28], [sflag:$0x4] =	stream.linear.gather [hbm4b:s12+s28], $0x1400, $0x38;
	[tilespmem:$0x1E800] =	vst v63  }
0x6f: {  	_ =	swait.ge [sflag:s18], $0x1400  }
0x70: {  	[sflag:s18] =	ssyncset.done $0x0  }
0x71: {  	[sflag:s18] =	ssyncadd.s32 $0xFFFFEC00  }
0x72: {  	[tilespmem:s16], [sflag:$0x4] =	stream.linear.gather [hbm4b:s13+s28], $0x1400, $0x38;
	[tilespmem:$0x1E800] =	vst v63  }
0x73: {  	_ =	swait.ge [sflag:s18], $0x1400  }
0x74: {  	[sflag:s18] =	ssyncset.done $0x0  }
0x75: {  	[sflag:s18] =	ssyncadd.s32 $0xFFFFEC00  }
0x76: {  	[tilespmem:s17], [sflag:$0x2] =	stream.indirect.gather [hbm4b:s0+s20], $0x80, s28, s20, $0xb8;
	[tilespmem:$0x1E800] =	vst v63  }
0x77: {  	_ = 	snop  }
0x78: {  	[tilespmem:s21], [sflag:$0x3] =	stream.indirect.gather [hbm4b:s0+s20], $0x80, s20, s20, $0xb8;
	[tilespmem:$0x1E800] =	vst v63  }
0x79: {  	_ =	swait.ge [sflag:s22], $0x4000  }
0x7a: {  	[sflag:s22] =	ssyncset.done $0x0  }
0x7b: {  	s28 =	simm.s32 $0x1400;
	[sflag:s22] =	ssyncadd.s32 $0xFFFFC000  }
0x7c: {  	[spmem:s3] =	stream.indirect.scatter.add.f32 [tilespmem:s17], [sflag:$0x4], $0x80, s28, s20, $0xb8;
	[tilespmem:$0x1E800] =	vst v63  }
0x7d: {  	_ =	swait.ge [sflag:s18], $0x4000  }
0x7e: {  	[sflag:s18] =	ssyncset.done $0x0  }
0x7f: {  	s28 =	simm.s32 $0x100;
	[sflag:s18] =	ssyncadd.s32 $0xFFFFC000  }
0x80: {  	[tilespmem:s17], [sflag:$0x2] =	stream.indirect.gather [hbm4b:s0+s20], $0x80, s28, s20, $0xb8;
	[tilespmem:$0x1E800] =	vst v63  }
0x81: {  	_ =	swait.ge [sflag:s23], $0x4000  }
0x82: {  	[sflag:s23] =	ssyncset.done $0x0  }
0x83: {  	s28 =	simm.s32 $0x1480;
	[sflag:s23] =	ssyncadd.s32 $0xFFFFC000  }
0x84: {  	[spmem:s3] =	stream.indirect.scatter.add.f32 [tilespmem:s21], [sflag:$0x4], $0x80, s28, s20, $0xb8;
	[tilespmem:$0x1E800] =	vst v63  }
0x85: {  	_ =	swait.ge [sflag:s18], $0x4000  }
0x86: {  	[sflag:s18] =	ssyncset.done $0x0  }
0x87: {  	s29 =	simm.s32 $0x180;
	s28 =	simm.s32 $0x400;
	[sflag:s18] =	ssyncadd.s32 $0xFFFFC000  }
.LBB2_6:
0x88: {  	[tilespmem:s21], [sflag:$0x3] =	stream.indirect.gather [hbm4b:s0+s20], $0x80, s29, s20, $0xb8;
	[tilespmem:$0x1E800] =	vst v63  }
0x89: {  	s29 =	smov.u32 s28  }
0x8a: {  	p0 =	sne.s32 s28, $0x4800;
	s28 =	sadd.s32 $0x400, s28;
	_ =	swait.ge [sflag:s22], $0x4000  }
0x8b: {  	s29 =	sshra.s32 s29, $0x2;
	[sflag:s22] =	ssyncset.done $0x0  }
0x8c: {  	s30 =	sadd.s32 $0x1400, s29;
	[sflag:s22] =	ssyncadd.s32 $0xFFFFC000  }
0x8d: {  	[spmem:s3] =	stream.indirect.scatter.add.f32 [tilespmem:s17], [sflag:$0x4], $0x80, s30, s20, $0xb8;
	[tilespmem:$0x1E800] =	vst v63  }
0x8e: {  	_ =	swait.ge [sflag:s18], $0x4000  }
0x8f: {  	[sflag:s18] =	ssyncset.done $0x0  }
0x90: {  	s30 =	sadd.s32 $0x100, s29;
	[sflag:s18] =	ssyncadd.s32 $0xFFFFC000  }
0x91: {  	[tilespmem:s17], [sflag:$0x2] =	stream.indirect.gather [hbm4b:s0+s20], $0x80, s30, s20, $0xb8;
	[tilespmem:$0x1E800] =	vst v63  }
0x92: {  	_ =	swait.ge [sflag:s23], $0x4000  }
0x93: {  	[sflag:s23] =	ssyncset.done $0x0  }
.Ltmp2:
0x94: {  	s30 =	sadd.s32 $0x1480, s29;
	[sflag:s23] =	ssyncadd.s32 $0xFFFFC000;
	(pc) =	sbr.rel @p0 .LBB2_6-.Ltmp2, $4  }
0x95: {  	[spmem:s3] =	stream.indirect.scatter.add.f32 [tilespmem:s21], [sflag:$0x4], $0x80, s30, s20, $0xb8;
	[tilespmem:$0x1E800] =	vst v63  }
0x96: {  	_ =	swait.ge [sflag:s18], $0x4000  }
0x97: {  	[sflag:s18] =	ssyncset.done $0x0  }
0x98: {  	s29 =	sadd.s32 $0x180, s29;
	[sflag:s18] =	ssyncadd.s32 $0xFFFFC000  }
0x99: {  	[tilespmem:s21], [sflag:$0x3] =	stream.indirect.gather [hbm4b:s0+s20], $0x80, s29, s20, $0xb8;
	[tilespmem:$0x1E800] =	vst v63  }
0x9a: {  	_ =	swait.ge [sflag:s22], $0x4000  }
0x9b: {  	[sflag:s22] =	ssyncset.done $0x0  }
0x9c: {  	[sflag:s22] =	ssyncadd.s32 $0xFFFFC000  }
0x9d: {  	[spmem:s3] =	stream.indirect.scatter.add.f32 [tilespmem:s17], [sflag:$0x4], $0x80, s24, s20, $0xb8;
	[tilespmem:$0x1E800] =	vst v63  }
0x9e: {  	_ =	swait.ge [sflag:s18], $0x4000  }
0x9f: {  	[sflag:s18] =	ssyncset.done $0x0  }
0xa0: {  	[sflag:s18] =	ssyncadd.s32 $0xFFFFC000  }
0xa1: {  	_ =	swait.ge [sflag:s23], $0x4000  }
0xa2: {  	[sflag:s23] =	ssyncset.done $0x0  }
0xa3: {  	[sflag:s23] =	ssyncadd.s32 $0xFFFFC000  }
0xa4: {  	[spmem:s3] =	stream.indirect.scatter.add.f32 [tilespmem:s21], [sflag:$0x4], $0x80, s25, s20, $0xb8;
	[tilespmem:$0x1E800] =	vst v63  }
0xa5: {  	_ =	swait.ge [sflag:s18], $0x4000  }
0xa6: {  	s28 =	sshll.u32 s2, $0x6;
	s26 =	sadd.s32 $0x1, s26;
	[sflag:s18] =	ssyncset.done $0x0  }
0xa7: {  	s31 =	sshrl.u32 s7, $0x3;
	p0 =	sne.s32 s26, s15;
	[sflag:s18] =	ssyncadd.s32 $0xFFFFC000  }
.Ltmp3:
0xa8: {  	s28 =	sor.u32 $0x1C04, s28;
	[bflag:$0x0] =	sbarrier.arrive $0xFFFF;
	(pc) =	sbr.rel @p0 .LBB2_1-.Ltmp3, $4  }
0xa9: {  	[hbm:s14], [sflag:s28] =	dma.local [spmem:s31], $0x2800  }
0xaa: {  	_ =	swait.ge [sflag:s18], $0x2800  }
0xab: {  	[sflag:s18] =	ssyncset.done $0x0  }
0xac: {  	[sflag:s18] =	ssyncadd.s32 $0xFFFFD800  }
0xad: {  	_ =	sfence.sel $0x180000  }
0xae: {  	[bflag:$0x0] =	sbarrier.arrive $0xFFFF  }
0xaf: {  	p0 =	sne.s32 s2, $0x0;
	_ =	strace $0x90000047  }
0xb0: {  	s0 =	sadd.s32 @!p0 $0x100000, s1;
	[bflag:$0x2] =	sbarrier.arrive $0xFFFF  }
0xb1: {  	[sflag:s0] =	ssyncadd.tile.s32 @!p0 $0x1;
	_ =	shalt  }
.Lfunc_end2:
_tile_overlayer_lowered:
.L_overlay_start_2:
0xb2: {  	(tag) =	ssettag $0x2  }
0xb3: {  	s0 =	rddreg [dreg:$0x0];
	s2 =	stileid.u32  }
0xb4: {  	s1 =	rddreg [dreg:$0x1];
	p0 =	sne.s32 s2, $0x0  }
0xb5: {  	s3 =	rddreg [dreg:$0x2];
	[bflag:$0x3] =	sbarrier.arrive $0xFFFF;
	s2 =	simm.s32 @!p0 $0x1C04  }
0xb6: {  	[timem:s3], [sflag:s2] =	dma.local @!p0 [hbm:s0], s1  }
0xb7: {  	s0 =	simm.s32 @!p0 $0x4  }
0xb8: {  	_ =	swait.ge @!p0 [sflag:s0], s1  }
0xb9: {  	s1 =	ssub.s32 @!p0 $0x0, s1;
	[sflag:s0] =	ssyncset.done @!p0 $0x0  }
0xba: {  	[sflag:s0] =	ssyncadd.s32 @!p0 s1  }
0xbb: {  	[bflag:$0x3] =	sbarrier.arrive $0xFFFF  }
0xbc: {  	_ =	shalt  }

</sc_bundles>
